<compile_context>
chip_gen: v7x
topology: tpu7x:2x2x1
jax: 0.10.2.dev20260603
libtpu: 0.0.44.dev20260713+nightly
codegen_flags: <defaults>
</compile_context>

<pallas_src>
import jax
import jax.numpy as jnp
from jax.experimental import pallas as pl
from jax.experimental.pallas import tpu as pltpu

_HB = 8


def _body(x_ref, m_ref, c_ref, sy_ref, out_ref):
    gx32 = c_ref[0:64, :]
    hx = c_ref[64:128, :]
    gz32 = c_ref[128:129, :]
    hz = c_ref[129:130, :]
    h_base = pl.program_id(1) * _HB
    X = x_ref[0].reshape(_HB * 64, 192).astype(jnp.bfloat16)
    T = jax.lax.dot_general(
        X, m_ref[...], (((1,), (0,)), ((), ())),
        preferred_element_type=jnp.float32)
    for hh in range(_HB):
        r0 = hh * 64
        t0 = T[r0:r0 + 64, 0:192]
        t1 = T[r0:r0 + 64, 256:448]
        t2 = T[r0:r0 + 64, 512:704]
        sy = sy_ref[0, h_base + hh]
        cy = sy_ref[1, h_base + hh]
        xf = t0 * gx32 + hx
        yf = t1 * sy + cy
        zf = t2 * gz32 + hz
        x0 = jnp.floor(xf)
        y0 = jnp.floor(yf)
        z0 = jnp.floor(zf)
        x0c = jnp.clip(x0, 0.0, 63.0)
        x1c = jnp.clip(x0 + 1.0, 0.0, 63.0)
        y0c = jnp.clip(y0, 0.0, 31.0)
        y1c = jnp.clip(y0 + 1.0, 0.0, 31.0)
        z0c = jnp.clip(z0, 0.0, 63.0)
        z1c = jnp.clip(z0 + 1.0, 0.0, 63.0)
        ya0 = y0c - 8.0
        ya1 = y1c - 8.0
        xa0 = x0c - 10.0
        xa1 = x1c - 10.0
        za0 = z0c - 10.0
        za1 = z1c - 10.0
        uy0 = 121.0 - ya0 * ya0
        uy1 = 121.0 - ya1 * ya1
        rx0 = xa0 * xa0
        rx1 = xa1 * xa1
        rz0 = za0 * za0
        rz1 = za1 * za1
        dx = x1c - xf
        dy = y1c - yf
        dz = z1c - zf
        exdx = 1.0 - dx
        exdy = 1.0 - dy
        exdz = 1.0 - dz
        acc = None
        for uy, py in ((uy0, dy), (uy1, exdy)):
            for rx, px in ((rx0, dx), (rx1, exdx)):
                u = uy - rx
                pxy = py * px
                q = jnp.where(rz0 <= u, dz, 0.0) + jnp.where(rz1 <= u, exdz, 0.0)
                term = pxy * q
                acc = term if acc is None else acc + term
        out_ref[0, hh] = acc


@jax.jit
def kernel(x, W_def, b_def):
    B, H, W, D, C = x.shape
    x4 = x.reshape(B, H, W, D * C)
    l = jnp.arange(192)
    d = l // 3
    Wb = W_def.astype(jnp.bfloat16)
    cols = []
    for o in range(3):
        blk = jnp.where(l[:, None] // 3 == d[None, :], Wb[l % 3, o][:, None],
                        jnp.bfloat16(0))
        blk = jnp.pad(blk, ((0, 0), (0, 64)))
        cols.append(blk)
    M = jnp.concatenate(cols, axis=1)
    b0, b1, b2 = b_def[0], b_def[1], b_def[2]
    z_lin = jnp.linspace(-1.0, 1.0, D)
    x_lin = jnp.linspace(-1.0, 1.0, W)
    y_lin = jnp.linspace(-1.0, 1.0, H)
    gx32 = jnp.broadcast_to(32.0 * x_lin[:, None], (W, 192))
    hx = b0 * gx32 + 32.0
    gz32 = (32.0 * z_lin[d]).reshape(1, 192)
    hz = b2 * gz32 + 32.0
    consts = jnp.concatenate(
        [gx32, hx, gz32, hz], axis=0).astype(jnp.float32)
    consts = jnp.pad(consts, ((0, 6), (0, 0)))
    sy = 16.0 * y_lin
    cy = b1 * sy + 16.0
    sycy = jnp.stack([sy, cy], axis=0).astype(jnp.float32)

    out4 = pl.pallas_call(
        _body,
        grid=(B, H // _HB),
        in_specs=[
            pl.BlockSpec((1, _HB, W, 192), lambda b, h: (b, h, 0, 0)),
            pl.BlockSpec((192, 768), lambda b, h: (0, 0)),
            pl.BlockSpec((136, 192), lambda b, h: (0, 0)),
            pl.BlockSpec(memory_space=pltpu.SMEM),
        ],
        out_specs=pl.BlockSpec((1, _HB, W, 192), lambda b, h: (b, h, 0, 0)),
        out_shape=jax.ShapeDtypeStruct((B, H, W, 192), jnp.float32),
        compiler_params=pltpu.CompilerParams(
            dimension_semantics=("parallel", "parallel"),
        ),
    )(x4, M, consts, sycy)
    return out4.reshape(B, H, W, D, C)

# --- scband reference (transcript-rebuilt; emitter-appended) ---
"""Pipeline reference for scband-spatial-transformer3-d-36240934044016 (READ-ONLY COPY).

The authoritative reference and input builder live on the scoring server;
editing this copy changes nothing except your own understanding.
"""

import jax, jax.numpy as jnp
import numpy as np


def create_elipsoid2(shape, scale, center):
    zz, yy, xx = np.meshgrid(np.arange(shape[0]), np.arange(shape[1]), np.arange(shape[2]), indexing='ij')
    vol = ((((zz - center[0]) / float(scale)) ** 2 + ((yy - center[1]) / float(scale)) ** 2 + ((xx - center[2]) / float(scale)) ** 2) <= 1.0).astype(np.float32)
    return vol


def setup_inputs(seed: int = 0):
    key = jax.random.key(seed)
    k1, k2, k3 = jax.random.split(key, 3)
    B, H, W, D, C = 32, 32, 64, 64, 3
    x = jax.random.normal(k1, (B, H, W, D, C), dtype=jnp.float32)
    W_def = jax.random.normal(k2, (C, 3), dtype=jnp.float32) * 0.1
    b_def = jax.random.normal(k3, (3,), dtype=jnp.float32) * 0.1
    return {"x": x, "W_def": W_def, "b_def": b_def}


def _forward(x, W_def, b_def):
    B, H, W, D, C = x.shape
    oh, ow, od = 32, 64, 64
    # def_net: per-voxel linear map producing a 3-channel deformation field
    transformation = jnp.einsum('bhwdc,co->bhwdo', x, W_def) + b_def
    # meshgrid (tf.meshgrid default 'xy' indexing -> shapes (oh, ow, od))
    x_lin = jnp.linspace(-1.0, 1.0, ow)
    y_lin = jnp.linspace(-1.0, 1.0, oh)
    z_lin = jnp.linspace(-1.0, 1.0, od)
    xc, yc, zc = jnp.meshgrid(x_lin, y_lin, z_lin)
    grid = jnp.stack([xc, yc, zc], axis=0)
    grid = jnp.tile(grid[None], (B, 1, 1, 1, 1))
    grid = jnp.transpose(grid, (0, 2, 3, 4, 1))
    tg = transformation * grid
    xs = tg[..., 0].reshape(-1)
    ys = tg[..., 1].reshape(-1)
    zs = tg[..., 2].reshape(-1)
    xf = 0.5 * (xs + 1.0) * W
    yf = 0.5 * (ys + 1.0) * H
    zf = 0.5 * (zs + 1.0) * D
    x0 = jnp.floor(xf).astype(jnp.int32); x1 = x0 + 1
    y0 = jnp.floor(yf).astype(jnp.int32); y1 = y0 + 1
    z0 = jnp.floor(zf).astype(jnp.int32); z1 = z0 + 1
    x0 = jnp.clip(x0, 0, W - 1); x1 = jnp.clip(x1, 0, W - 1)
    y0 = jnp.clip(y0, 0, H - 1); y1 = jnp.clip(y1, 0, H - 1)
    z0 = jnp.clip(z0, 0, D - 1); z1 = jnp.clip(z1, 0, D - 1)
    dim3 = D
    dim2 = D * W
    dim1 = D * W * H
    base = jnp.repeat(jnp.arange(B, dtype=jnp.int32) * dim1, oh * ow * od)
    base_y0 = base + y0 * dim2
    base_y1 = base + y1 * dim2
    idx_a = base_y0 + x0 * dim3 + z0
    idx_b = base_y1 + x0 * dim3 + z0
    idx_c = base_y0 + x1 * dim3 + z0
    idx_d = base_y1 + x1 * dim3 + z0
    idx_e = base_y0 + x0 * dim3 + z1
    idx_f = base_y1 + x0 * dim3 + z1
    idx_g = base_y0 + x1 * dim3 + z1
    idx_h = base_y1 + x1 * dim3 + z1
    # faithful to original: gathers read a hardcoded ellipsoid map, not X
    ellipse = create_elipsoid2((32, 64, 64), 11, [8, 10, 10]).reshape(32, 64, 64, 1)
    mapp = jnp.tile(jnp.asarray(ellipse), (B, 1, 1, 3))
    im_flat = mapp.reshape(-1, C).astype(jnp.float32)
    Ia = jnp.take(im_flat, idx_a, axis=0)
    Ib = jnp.take(im_flat, idx_b, axis=0)
    Ic = jnp.take(im_flat, idx_c, axis=0)
    Id = jnp.take(im_flat, idx_d, axis=0)
    Ie = jnp.take(im_flat, idx_e, axis=0)
    If = jnp.take(im_flat, idx_f, axis=0)
    Ig = jnp.take(im_flat, idx_g, axis=0)
    Ih = jnp.take(im_flat, idx_h, axis=0)
    x1f = x1.astype(jnp.float32)
    y1f = y1.astype(jnp.float32)
    z1f = z1.astype(jnp.float32)
    dx = x1f - xf
    dy = y1f - yf
    dz = z1f - zf
    wa = (dz * dx * dy)[:, None]
    wb = (dz * dx * (1 - dy))[:, None]
    wc = (dz * (1 - dx) * dy)[:, None]
    wd = (dz * (1 - dx) * (1 - dy))[:, None]
    we = ((1 - dz) * dx * dy)[:, None]
    wf = ((1 - dz) * dx * (1 - dy))[:, None]
    wg = ((1 - dz) * (1 - dx) * dy)[:, None]
    wh = ((1 - dz) * (1 - dx) * (1 - dy))[:, None]
    out = wa * Ia + wb * Ib + wc * Ic + wd * Id + we * Ie + wf * If + wg * Ig + wh * Ih
    return out.reshape(B, oh, ow, od, C)


def reference(x, W_def, b_def):
    return _forward(x, W_def, b_def)

if __name__ == "__main__":
    import jax
    _d = setup_inputs()
    print(jax.jit(kernel)(*tuple(_d.values())))

</pallas_src>

<mosaic_0001>
module attributes {stable_mosaic.version = 14 : i64} {
  func.func @_body(%arg0: i32, %arg1: i32, %arg2: memref<1x8x64x192xf32, #tpu.memory_space<vmem>>, %arg3: memref<192x768xbf16, #tpu.memory_space<vmem>>, %arg4: memref<136x192xf32, #tpu.memory_space<vmem>>, %arg5: memref<2x32xf32, #tpu.memory_space<smem>>, %arg6: memref<1x8x64x192xf32, #tpu.memory_space<vmem>>) attributes {dimension_semantics = [#tpu.dimension_semantics<parallel>, #tpu.dimension_semantics<parallel>], iteration_bounds = array<i64: 32, 4>, scalar_prefetch = 0 : i64, scratch_operands = 0 : i64, tpu.core_type = #tpu.core_type<tc>, window_params = [{transform_indices = @transform_0, window_bounds = array<i64: 1, 8, 64, 192>}, {pipeline_mode = #tpu.pipeline_mode<synchronous>, transform_indices = @transform_1, window_bounds = array<i64: 192, 768>}, {pipeline_mode = #tpu.pipeline_mode<synchronous>, transform_indices = @transform_2, window_bounds = array<i64: 136, 192>}, {transform_indices = @transform_3, window_bounds = array<i64: 2, 32>}, {transform_indices = @transform_4, window_bounds = array<i64: 1, 8, 64, 192>}]} {
    %get3A = arith.constant 0 : index
    %get3A_0 = arith.constant 0 : index
    %get3A_1 = vector.load %arg4[%get3A, %get3A_0] : memref<136x192xf32, #tpu.memory_space<vmem>>, vector<64x192xf32>
    %get3A_2 = arith.constant 64 : index
    %get3A_3 = arith.constant 0 : index
    %get3A_4 = vector.load %arg4[%get3A_2, %get3A_3] : memref<136x192xf32, #tpu.memory_space<vmem>>, vector<64x192xf32>
    %get3A_5 = arith.constant 128 : index
    %get3A_6 = arith.constant 0 : index
    %get3A_7 = vector.load %arg4[%get3A_5, %get3A_6] : memref<136x192xf32, #tpu.memory_space<vmem>>, vector<1x192xf32>
    %get3A_8 = arith.constant 129 : index
    %get3A_9 = arith.constant 0 : index
    %get3A_10 = vector.load %arg4[%get3A_8, %get3A_9] : memref<136x192xf32, #tpu.memory_space<vmem>>, vector<1x192xf32>
    %mul3A = arith.constant 8 : i32
    %mul3A_11 = arith.muli %arg1, %mul3A : i32
    %get3A_12 = arith.constant 0 : index
    %get3A_13 = arith.constant 0 : index
    %get3A_14 = arith.constant 0 : index
    %get3A_15 = arith.constant 0 : index
    %get3A_16 = vector.load %arg2[%get3A_12, %get3A_13, %get3A_14, %get3A_15] : memref<1x8x64x192xf32, #tpu.memory_space<vmem>>, vector<1x8x64x192xf32>
    %get3A_17 = vector.shape_cast %get3A_16 : vector<1x8x64x192xf32> to vector<8x64x192xf32>
    %reshape3A = vector.shape_cast %get3A_17 : vector<8x64x192xf32> to vector<512x192xf32>
    %convert_element_type3A = arith.truncf %reshape3A : vector<512x192xf32> to vector<512x192xbf16>
    %get3A_18 = arith.constant 0 : index
    %get3A_19 = arith.constant 0 : index
    %get3A_20 = vector.load %arg3[%get3A_18, %get3A_19] : memref<192x768xbf16, #tpu.memory_space<vmem>>, vector<192x768xbf16>
    %dot_general3A = arith.constant dense<0.000000e+00> : vector<512x768xf32>
    %dot_general3A_21 = tpu.matmul %convert_element_type3A, %get3A_20, %dot_general3A {dimension_numbers = #tpu.dot_dimension_numbers<[1], [0], [0], [1], [0, 0, 1, 1], [], []>, transpose_lhs_hint = false} : vector<512x192xbf16>, vector<192x768xbf16>, vector<512x768xf32> -> vector<512x768xf32>
    %slice3A = vector.extract_strided_slice %dot_general3A_21 {offsets = [0, 0], sizes = [64, 192], strides = [1, 1]} : vector<512x768xf32> to vector<64x192xf32>
    %slice3A_22 = vector.extract_strided_slice %dot_general3A_21 {offsets = [0, 256], sizes = [64, 192], strides = [1, 1]} : vector<512x768xf32> to vector<64x192xf32>
    %slice3A_23 = vector.extract_strided_slice %dot_general3A_21 {offsets = [0, 512], sizes = [64, 192], strides = [1, 1]} : vector<512x768xf32> to vector<64x192xf32>
    %add3A = arith.constant 0 : i32
    %add3A_24 = arith.addi %mul3A_11, %add3A : i32
    %get3A_25 = arith.constant 0 : index
    %get3A_26 = arith.index_cast %add3A_24 : i32 to index
    %get3A_27 = memref.load %arg5[%get3A_25, %get3A_26] : memref<2x32xf32, #tpu.memory_space<smem>>
    %add3A_28 = arith.constant 0 : i32
    %add3A_29 = arith.addi %mul3A_11, %add3A_28 : i32
    %get3A_30 = arith.constant 1 : index
    %get3A_31 = arith.index_cast %add3A_29 : i32 to index
    %get3A_32 = memref.load %arg5[%get3A_30, %get3A_31] : memref<2x32xf32, #tpu.memory_space<smem>>
    %mul3A_33 = arith.mulf %slice3A, %get3A_1 : vector<64x192xf32>
    %add3A_34 = arith.addf %mul3A_33, %get3A_4 : vector<64x192xf32>
    %mul3A_35 = vector.broadcast %get3A_27 : f32 to vector<64x192xf32>
    %mul3A_36 = arith.mulf %slice3A_22, %mul3A_35 : vector<64x192xf32>
    %add3A_37 = vector.broadcast %get3A_32 : f32 to vector<64x192xf32>
    %add3A_38 = arith.addf %mul3A_36, %add3A_37 : vector<64x192xf32>
    %mul3A_39 = vector.broadcast %get3A_7 : vector<1x192xf32> to vector<64x192xf32>
    %mul3A_40 = arith.mulf %slice3A_23, %mul3A_39 : vector<64x192xf32>
    %add3A_41 = vector.broadcast %get3A_10 : vector<1x192xf32> to vector<64x192xf32>
    %add3A_42 = arith.addf %mul3A_40, %add3A_41 : vector<64x192xf32>
    %floor3A = math.floor %add3A_34 : vector<64x192xf32>
    %floor3A_43 = math.floor %add3A_38 : vector<64x192xf32>
    %floor3A_44 = math.floor %add3A_42 : vector<64x192xf32>
    %jit3A = arith.constant 0.000000e+00 : f32
    %jit3A_45 = arith.constant 6.300000e+01 : f32
    %max3A = vector.broadcast %jit3A : f32 to vector<64x192xf32>
    %max3A_46 = arith.maximumf %max3A, %floor3A : vector<64x192xf32>
    %min3A = vector.broadcast %jit3A_45 : f32 to vector<64x192xf32>
    %min3A_47 = arith.minimumf %min3A, %max3A_46 : vector<64x192xf32>
    %add3A_48 = arith.constant 1.000000e+00 : f32
    %add3A_49 = vector.broadcast %add3A_48 : f32 to vector<64x192xf32>
    %add3A_50 = arith.addf %floor3A, %add3A_49 : vector<64x192xf32>
    %jit3A_51 = arith.constant 0.000000e+00 : f32
    %jit3A_52 = arith.constant 6.300000e+01 : f32
    %max3A_53 = vector.broadcast %jit3A_51 : f32 to vector<64x192xf32>
    %max3A_54 = arith.maximumf %max3A_53, %add3A_50 : vector<64x192xf32>
    %min3A_55 = vector.broadcast %jit3A_52 : f32 to vector<64x192xf32>
    %min3A_56 = arith.minimumf %min3A_55, %max3A_54 : vector<64x192xf32>
    %jit3A_57 = arith.constant 0.000000e+00 : f32
    %jit3A_58 = arith.constant 3.100000e+01 : f32
    %max3A_59 = vector.broadcast %jit3A_57 : f32 to vector<64x192xf32>
    %max3A_60 = arith.maximumf %max3A_59, %floor3A_43 : vector<64x192xf32>
    %min3A_61 = vector.broadcast %jit3A_58 : f32 to vector<64x192xf32>
    %min3A_62 = arith.minimumf %min3A_61, %max3A_60 : vector<64x192xf32>
    %add3A_63 = arith.constant 1.000000e+00 : f32
    %add3A_64 = vector.broadcast %add3A_63 : f32 to vector<64x192xf32>
    %add3A_65 = arith.addf %floor3A_43, %add3A_64 : vector<64x192xf32>
    %jit3A_66 = arith.constant 0.000000e+00 : f32
    %jit3A_67 = arith.constant 3.100000e+01 : f32
    %max3A_68 = vector.broadcast %jit3A_66 : f32 to vector<64x192xf32>
    %max3A_69 = arith.maximumf %max3A_68, %add3A_65 : vector<64x192xf32>
    %min3A_70 = vector.broadcast %jit3A_67 : f32 to vector<64x192xf32>
    %min3A_71 = arith.minimumf %min3A_70, %max3A_69 : vector<64x192xf32>
    %jit3A_72 = arith.constant 0.000000e+00 : f32
    %jit3A_73 = arith.constant 6.300000e+01 : f32
    %max3A_74 = vector.broadcast %jit3A_72 : f32 to vector<64x192xf32>
    %max3A_75 = arith.maximumf %max3A_74, %floor3A_44 : vector<64x192xf32>
    %min3A_76 = vector.broadcast %jit3A_73 : f32 to vector<64x192xf32>
    %min3A_77 = arith.minimumf %min3A_76, %max3A_75 : vector<64x192xf32>
    %add3A_78 = arith.constant 1.000000e+00 : f32
    %add3A_79 = vector.broadcast %add3A_78 : f32 to vector<64x192xf32>
    %add3A_80 = arith.addf %floor3A_44, %add3A_79 : vector<64x192xf32>
    %jit3A_81 = arith.constant 0.000000e+00 : f32
    %jit3A_82 = arith.constant 6.300000e+01 : f32
    %max3A_83 = vector.broadcast %jit3A_81 : f32 to vector<64x192xf32>
    %max3A_84 = arith.maximumf %max3A_83, %add3A_80 : vector<64x192xf32>
    %min3A_85 = vector.broadcast %jit3A_82 : f32 to vector<64x192xf32>
    %min3A_86 = arith.minimumf %min3A_85, %max3A_84 : vector<64x192xf32>
    %sub3A = arith.constant 8.000000e+00 : f32
    %sub3A_87 = vector.broadcast %sub3A : f32 to vector<64x192xf32>
    %sub3A_88 = arith.subf %min3A_62, %sub3A_87 : vector<64x192xf32>
    %sub3A_89 = arith.constant 8.000000e+00 : f32
    %sub3A_90 = vector.broadcast %sub3A_89 : f32 to vector<64x192xf32>
    %sub3A_91 = arith.subf %min3A_71, %sub3A_90 : vector<64x192xf32>
    %sub3A_92 = arith.constant 1.000000e+01 : f32
    %sub3A_93 = vector.broadcast %sub3A_92 : f32 to vector<64x192xf32>
    %sub3A_94 = arith.subf %min3A_47, %sub3A_93 : vector<64x192xf32>
    %sub3A_95 = arith.constant 1.000000e+01 : f32
    %sub3A_96 = vector.broadcast %sub3A_95 : f32 to vector<64x192xf32>
    %sub3A_97 = arith.subf %min3A_56, %sub3A_96 : vector<64x192xf32>
    %sub3A_98 = arith.constant 1.000000e+01 : f32
    %sub3A_99 = vector.broadcast %sub3A_98 : f32 to vector<64x192xf32>
    %sub3A_100 = arith.subf %min3A_77, %sub3A_99 : vector<64x192xf32>
    %sub3A_101 = arith.constant 1.000000e+01 : f32
    %sub3A_102 = vector.broadcast %sub3A_101 : f32 to vector<64x192xf32>
    %sub3A_103 = arith.subf %min3A_86, %sub3A_102 : vector<64x192xf32>
    %mul3A_104 = arith.mulf %sub3A_88, %sub3A_88 : vector<64x192xf32>
    %sub3A_105 = arith.constant 1.210000e+02 : f32
    %sub3A_106 = vector.broadcast %sub3A_105 : f32 to vector<64x192xf32>
    %sub3A_107 = arith.subf %sub3A_106, %mul3A_104 : vector<64x192xf32>
    %mul3A_108 = arith.mulf %sub3A_91, %sub3A_91 : vector<64x192xf32>
    %sub3A_109 = arith.constant 1.210000e+02 : f32
    %sub3A_110 = vector.broadcast %sub3A_109 : f32 to vector<64x192xf32>
    %sub3A_111 = arith.subf %sub3A_110, %mul3A_108 : vector<64x192xf32>
    %mul3A_112 = arith.mulf %sub3A_94, %sub3A_94 : vector<64x192xf32>
    %mul3A_113 = arith.mulf %sub3A_97, %sub3A_97 : vector<64x192xf32>
    %mul3A_114 = arith.mulf %sub3A_100, %sub3A_100 : vector<64x192xf32>
    %mul3A_115 = arith.mulf %sub3A_103, %sub3A_103 : vector<64x192xf32>
    %sub3A_116 = arith.subf %min3A_56, %add3A_34 : vector<64x192xf32>
    %sub3A_117 = arith.subf %min3A_71, %add3A_38 : vector<64x192xf32>
    %sub3A_118 = arith.subf %min3A_86, %add3A_42 : vector<64x192xf32>
    %sub3A_119 = arith.constant 1.000000e+00 : f32
    %sub3A_120 = vector.broadcast %sub3A_119 : f32 to vector<64x192xf32>
    %sub3A_121 = arith.subf %sub3A_120, %sub3A_116 : vector<64x192xf32>
    %sub3A_122 = arith.constant 1.000000e+00 : f32
    %sub3A_123 = vector.broadcast %sub3A_122 : f32 to vector<64x192xf32>
    %sub3A_124 = arith.subf %sub3A_123, %sub3A_117 : vector<64x192xf32>
    %sub3A_125 = arith.constant 1.000000e+00 : f32
    %sub3A_126 = vector.broadcast %sub3A_125 : f32 to vector<64x192xf32>
    %sub3A_127 = arith.subf %sub3A_126, %sub3A_118 : vector<64x192xf32>
    %sub3A_128 = arith.subf %sub3A_107, %mul3A_112 : vector<64x192xf32>
    %mul3A_129 = arith.mulf %sub3A_117, %sub3A_116 : vector<64x192xf32>
    %le3A = arith.cmpf ole, %mul3A_114, %sub3A_128 : vector<64x192xf32>
    %jit3A_130 = arith.constant 0.000000e+00 : f32
    %broadcast_in_dim3A = vector.broadcast %jit3A_130 : f32 to vector<64x192xf32>
    %select_n3A = arith.select %le3A, %sub3A_118, %broadcast_in_dim3A : vector<64x192xi1>, vector<64x192xf32>
    %le3A_131 = arith.cmpf ole, %mul3A_115, %sub3A_128 : vector<64x192xf32>
    %jit3A_132 = arith.constant 0.000000e+00 : f32
    %broadcast_in_dim3A_133 = vector.broadcast %jit3A_132 : f32 to vector<64x192xf32>
    %select_n3A_134 = arith.select %le3A_131, %sub3A_127, %broadcast_in_dim3A_133 : vector<64x192xi1>, vector<64x192xf32>
    %add3A_135 = arith.addf %select_n3A, %select_n3A_134 : vector<64x192xf32>
    %mul3A_136 = arith.mulf %mul3A_129, %add3A_135 : vector<64x192xf32>
    %sub3A_137 = arith.subf %sub3A_107, %mul3A_113 : vector<64x192xf32>
    %mul3A_138 = arith.mulf %sub3A_117, %sub3A_121 : vector<64x192xf32>
    %le3A_139 = arith.cmpf ole, %mul3A_114, %sub3A_137 : vector<64x192xf32>
    %jit3A_140 = arith.constant 0.000000e+00 : f32
    %broadcast_in_dim3A_141 = vector.broadcast %jit3A_140 : f32 to vector<64x192xf32>
    %select_n3A_142 = arith.select %le3A_139, %sub3A_118, %broadcast_in_dim3A_141 : vector<64x192xi1>, vector<64x192xf32>
    %le3A_143 = arith.cmpf ole, %mul3A_115, %sub3A_137 : vector<64x192xf32>
    %jit3A_144 = arith.constant 0.000000e+00 : f32
    %broadcast_in_dim3A_145 = vector.broadcast %jit3A_144 : f32 to vector<64x192xf32>
    %select_n3A_146 = arith.select %le3A_143, %sub3A_127, %broadcast_in_dim3A_145 : vector<64x192xi1>, vector<64x192xf32>
    %add3A_147 = arith.addf %select_n3A_142, %select_n3A_146 : vector<64x192xf32>
    %mul3A_148 = arith.mulf %mul3A_138, %add3A_147 : vector<64x192xf32>
    %add3A_149 = arith.addf %mul3A_136, %mul3A_148 : vector<64x192xf32>
    %sub3A_150 = arith.subf %sub3A_111, %mul3A_112 : vector<64x192xf32>
    %mul3A_151 = arith.mulf %sub3A_124, %sub3A_116 : vector<64x192xf32>
    %le3A_152 = arith.cmpf ole, %mul3A_114, %sub3A_150 : vector<64x192xf32>
    %jit3A_153 = arith.constant 0.000000e+00 : f32
    %broadcast_in_dim3A_154 = vector.broadcast %jit3A_153 : f32 to vector<64x192xf32>
    %select_n3A_155 = arith.select %le3A_152, %sub3A_118, %broadcast_in_dim3A_154 : vector<64x192xi1>, vector<64x192xf32>
    %le3A_156 = arith.cmpf ole, %mul3A_115, %sub3A_150 : vector<64x192xf32>
    %jit3A_157 = arith.constant 0.000000e+00 : f32
    %broadcast_in_dim3A_158 = vector.broadcast %jit3A_157 : f32 to vector<64x192xf32>
    %select_n3A_159 = arith.select %le3A_156, %sub3A_127, %broadcast_in_dim3A_158 : vector<64x192xi1>, vector<64x192xf32>
    %add3A_160 = arith.addf %select_n3A_155, %select_n3A_159 : vector<64x192xf32>
    %mul3A_161 = arith.mulf %mul3A_151, %add3A_160 : vector<64x192xf32>
    %add3A_162 = arith.addf %add3A_149, %mul3A_161 : vector<64x192xf32>
    %sub3A_163 = arith.subf %sub3A_111, %mul3A_113 : vector<64x192xf32>
    %mul3A_164 = arith.mulf %sub3A_124, %sub3A_121 : vector<64x192xf32>
    %le3A_165 = arith.cmpf ole, %mul3A_114, %sub3A_163 : vector<64x192xf32>
    %jit3A_166 = arith.constant 0.000000e+00 : f32
    %broadcast_in_dim3A_167 = vector.broadcast %jit3A_166 : f32 to vector<64x192xf32>
    %select_n3A_168 = arith.select %le3A_165, %sub3A_118, %broadcast_in_dim3A_167 : vector<64x192xi1>, vector<64x192xf32>
    %le3A_169 = arith.cmpf ole, %mul3A_115, %sub3A_163 : vector<64x192xf32>
    %jit3A_170 = arith.constant 0.000000e+00 : f32
    %broadcast_in_dim3A_171 = vector.broadcast %jit3A_170 : f32 to vector<64x192xf32>
    %select_n3A_172 = arith.select %le3A_169, %sub3A_127, %broadcast_in_dim3A_171 : vector<64x192xi1>, vector<64x192xf32>
    %add3A_173 = arith.addf %select_n3A_168, %select_n3A_172 : vector<64x192xf32>
    %mul3A_174 = arith.mulf %mul3A_164, %add3A_173 : vector<64x192xf32>
    %add3A_175 = arith.addf %add3A_162, %mul3A_174 : vector<64x192xf32>
    %swap3A = arith.constant 0 : index
    %swap3A_176 = arith.constant 0 : index
    %swap3A_177 = arith.constant 0 : index
    %swap3A_178 = arith.constant 0 : index
    %swap3A_179 = vector.load %arg6[%swap3A, %swap3A_176, %swap3A_177, %swap3A_178] : memref<1x8x64x192xf32, #tpu.memory_space<vmem>>, vector<1x1x64x192xf32>
    %swap3A_180 = vector.shape_cast %swap3A_179 : vector<1x1x64x192xf32> to vector<64x192xf32>
    %swap3A_181 = vector.shape_cast %add3A_175 : vector<64x192xf32> to vector<1x1x64x192xf32>
    tpu.vector_store %arg6[%swap3A, %swap3A_176, %swap3A_177, %swap3A_178], %swap3A_181 {strides = array<i32>} : memref<1x8x64x192xf32, #tpu.memory_space<vmem>>, vector<1x1x64x192xf32>,
    %slice3A_182 = vector.extract_strided_slice %dot_general3A_21 {offsets = [64, 0], sizes = [64, 192], strides = [1, 1]} : vector<512x768xf32> to vector<64x192xf32>
    %slice3A_183 = vector.extract_strided_slice %dot_general3A_21 {offsets = [64, 256], sizes = [64, 192], strides = [1, 1]} : vector<512x768xf32> to vector<64x192xf32>
    %slice3A_184 = vector.extract_strided_slice %dot_general3A_21 {offsets = [64, 512], sizes = [64, 192], strides = [1, 1]} : vector<512x768xf32> to vector<64x192xf32>
    %add3A_185 = arith.constant 1 : i32
    %add3A_186 = arith.addi %mul3A_11, %add3A_185 : i32
    %get3A_187 = arith.constant 0 : index
    %get3A_188 = arith.index_cast %add3A_186 : i32 to index
    %get3A_189 = memref.load %arg5[%get3A_187, %get3A_188] : memref<2x32xf32, #tpu.memory_space<smem>>
    %add3A_190 = arith.constant 1 : i32
    %add3A_191 = arith.addi %mul3A_11, %add3A_190 : i32
    %get3A_192 = arith.constant 1 : index
    %get3A_193 = arith.index_cast %add3A_191 : i32 to index
    %get3A_194 = memref.load %arg5[%get3A_192, %get3A_193] : memref<2x32xf32, #tpu.memory_space<smem>>
    %mul3A_195 = arith.mulf %slice3A_182, %get3A_1 : vector<64x192xf32>
    %add3A_196 = arith.addf %mul3A_195, %get3A_4 : vector<64x192xf32>
    %mul3A_197 = vector.broadcast %get3A_189 : f32 to vector<64x192xf32>
    %mul3A_198 = arith.mulf %slice3A_183, %mul3A_197 : vector<64x192xf32>
    %add3A_199 = vector.broadcast %get3A_194 : f32 to vector<64x192xf32>
    %add3A_200 = arith.addf %mul3A_198, %add3A_199 : vector<64x192xf32>
    %mul3A_201 = vector.broadcast %get3A_7 : vector<1x192xf32> to vector<64x192xf32>
    %mul3A_202 = arith.mulf %slice3A_184, %mul3A_201 : vector<64x192xf32>
    %add3A_203 = vector.broadcast %get3A_10 : vector<1x192xf32> to vector<64x192xf32>
    %add3A_204 = arith.addf %mul3A_202, %add3A_203 : vector<64x192xf32>
    %floor3A_205 = math.floor %add3A_196 : vector<64x192xf32>
    %floor3A_206 = math.floor %add3A_200 : vector<64x192xf32>
    %floor3A_207 = math.floor %add3A_204 : vector<64x192xf32>
    %jit3A_208 = arith.constant 0.000000e+00 : f32
    %jit3A_209 = arith.constant 6.300000e+01 : f32
    %max3A_210 = vector.broadcast %jit3A_208 : f32 to vector<64x192xf32>
    %max3A_211 = arith.maximumf %max3A_210, %floor3A_205 : vector<64x192xf32>
    %min3A_212 = vector.broadcast %jit3A_209 : f32 to vector<64x192xf32>
    %min3A_213 = arith.minimumf %min3A_212, %max3A_211 : vector<64x192xf32>
    %add3A_214 = arith.constant 1.000000e+00 : f32
    %add3A_215 = vector.broadcast %add3A_214 : f32 to vector<64x192xf32>
    %add3A_216 = arith.addf %floor3A_205, %add3A_215 : vector<64x192xf32>
    %jit3A_217 = arith.constant 0.000000e+00 : f32
    %jit3A_218 = arith.constant 6.300000e+01 : f32
    %max3A_219 = vector.broadcast %jit3A_217 : f32 to vector<64x192xf32>
    %max3A_220 = arith.maximumf %max3A_219, %add3A_216 : vector<64x192xf32>
    %min3A_221 = vector.broadcast %jit3A_218 : f32 to vector<64x192xf32>
    %min3A_222 = arith.minimumf %min3A_221, %max3A_220 : vector<64x192xf32>
    %jit3A_223 = arith.constant 0.000000e+00 : f32
    %jit3A_224 = arith.constant 3.100000e+01 : f32
    %max3A_225 = vector.broadcast %jit3A_223 : f32 to vector<64x192xf32>
    %max3A_226 = arith.maximumf %max3A_225, %floor3A_206 : vector<64x192xf32>
    %min3A_227 = vector.broadcast %jit3A_224 : f32 to vector<64x192xf32>
    %min3A_228 = arith.minimumf %min3A_227, %max3A_226 : vector<64x192xf32>
    %add3A_229 = arith.constant 1.000000e+00 : f32
    %add3A_230 = vector.broadcast %add3A_229 : f32 to vector<64x192xf32>
    %add3A_231 = arith.addf %floor3A_206, %add3A_230 : vector<64x192xf32>
    %jit3A_232 = arith.constant 0.000000e+00 : f32
    %jit3A_233 = arith.constant 3.100000e+01 : f32
    %max3A_234 = vector.broadcast %jit3A_232 : f32 to vector<64x192xf32>
    %max3A_235 = arith.maximumf %max3A_234, %add3A_231 : vector<64x192xf32>
    %min3A_236 = vector.broadcast %jit3A_233 : f32 to vector<64x192xf32>
    %min3A_237 = arith.minimumf %min3A_236, %max3A_235 : vector<64x192xf32>
    %jit3A_238 = arith.constant 0.000000e+00 : f32
    %jit3A_239 = arith.constant 6.300000e+01 : f32
    %max3A_240 = vector.broadcast %jit3A_238 : f32 to vector<64x192xf32>
    %max3A_241 = arith.maximumf %max3A_240, %floor3A_207 : vector<64x192xf32>
    %min3A_242 = vector.broadcast %jit3A_239 : f32 to vector<64x192xf32>
    %min3A_243 = arith.minimumf %min3A_242, %max3A_241 : vector<64x192xf32>
    %add3A_244 = arith.constant 1.000000e+00 : f32
    %add3A_245 = vector.broadcast %add3A_244 : f32 to vector<64x192xf32>
    %add3A_246 = arith.addf %floor3A_207, %add3A_245 : vector<64x192xf32>
    %jit3A_247 = arith.constant 0.000000e+00 : f32
    %jit3A_248 = arith.constant 6.300000e+01 : f32
    %max3A_249 = vector.broadcast %jit3A_247 : f32 to vector<64x192xf32>
    %max3A_250 = arith.maximumf %max3A_249, %add3A_246 : vector<64x192xf32>
    %min3A_251 = vector.broadcast %jit3A_248 : f32 to vector<64x192xf32>
    %min3A_252 = arith.minimumf %min3A_251, %max3A_250 : vector<64x192xf32>
    %sub3A_253 = arith.constant 8.000000e+00 : f32
    %sub3A_254 = vector.broadcast %sub3A_253 : f32 to vector<64x192xf32>
    %sub3A_255 = arith.subf %min3A_228, %sub3A_254 : vector<64x192xf32>
    %sub3A_256 = arith.constant 8.000000e+00 : f32
    %sub3A_257 = vector.broadcast %sub3A_256 : f32 to vector<64x192xf32>
    %sub3A_258 = arith.subf %min3A_237, %sub3A_257 : vector<64x192xf32>
    %sub3A_259 = arith.constant 1.000000e+01 : f32
    %sub3A_260 = vector.broadcast %sub3A_259 : f32 to vector<64x192xf32>
    %sub3A_261 = arith.subf %min3A_213, %sub3A_260 : vector<64x192xf32>
    %sub3A_262 = arith.constant 1.000000e+01 : f32
    %sub3A_263 = vector.broadcast %sub3A_262 : f32 to vector<64x192xf32>
    %sub3A_264 = arith.subf %min3A_222, %sub3A_263 : vector<64x192xf32>
    %sub3A_265 = arith.constant 1.000000e+01 : f32
    %sub3A_266 = vector.broadcast %sub3A_265 : f32 to vector<64x192xf32>
    %sub3A_267 = arith.subf %min3A_243, %sub3A_266 : vector<64x192xf32>
    %sub3A_268 = arith.constant 1.000000e+01 : f32
    %sub3A_269 = vector.broadcast %sub3A_268 : f32 to vector<64x192xf32>
    %sub3A_270 = arith.subf %min3A_252, %sub3A_269 : vector<64x192xf32>
    %mul3A_271 = arith.mulf %sub3A_255, %sub3A_255 : vector<64x192xf32>
    %sub3A_272 = arith.constant 1.210000e+02 : f32
    %sub3A_273 = vector.broadcast %sub3A_272 : f32 to vector<64x192xf32>
    %sub3A_274 = arith.subf %sub3A_273, %mul3A_271 : vector<64x192xf32>
    %mul3A_275 = arith.mulf %sub3A_258, %sub3A_258 : vector<64x192xf32>
    %sub3A_276 = arith.constant 1.210000e+02 : f32
    %sub3A_277 = vector.broadcast %sub3A_276 : f32 to vector<64x192xf32>
    %sub3A_278 = arith.subf %sub3A_277, %mul3A_275 : vector<64x192xf32>
    %mul3A_279 = arith.mulf %sub3A_261, %sub3A_261 : vector<64x192xf32>
    %mul3A_280 = arith.mulf %sub3A_264, %sub3A_264 : vector<64x192xf32>
    %mul3A_281 = arith.mulf %sub3A_267, %sub3A_267 : vector<64x192xf32>
    %mul3A_282 = arith.mulf %sub3A_270, %sub3A_270 : vector<64x192xf32>
    %sub3A_283 = arith.subf %min3A_222, %add3A_196 : vector<64x192xf32>
    %sub3A_284 = arith.subf %min3A_237, %add3A_200 : vector<64x192xf32>
    %sub3A_285 = arith.subf %min3A_252, %add3A_204 : vector<64x192xf32>
    %sub3A_286 = arith.constant 1.000000e+00 : f32
    %sub3A_287 = vector.broadcast %sub3A_286 : f32 to vector<64x192xf32>
    %sub3A_288 = arith.subf %sub3A_287, %sub3A_283 : vector<64x192xf32>
    %sub3A_289 = arith.constant 1.000000e+00 : f32
    %sub3A_290 = vector.broadcast %sub3A_289 : f32 to vector<64x192xf32>
    %sub3A_291 = arith.subf %sub3A_290, %sub3A_284 : vector<64x192xf32>
    %sub3A_292 = arith.constant 1.000000e+00 : f32
    %sub3A_293 = vector.broadcast %sub3A_292 : f32 to vector<64x192xf32>
    %sub3A_294 = arith.subf %sub3A_293, %sub3A_285 : vector<64x192xf32>
    %sub3A_295 = arith.subf %sub3A_274, %mul3A_279 : vector<64x192xf32>
    %mul3A_296 = arith.mulf %sub3A_284, %sub3A_283 : vector<64x192xf32>
    %le3A_297 = arith.cmpf ole, %mul3A_281, %sub3A_295 : vector<64x192xf32>
    %jit3A_298 = arith.constant 0.000000e+00 : f32
    %broadcast_in_dim3A_299 = vector.broadcast %jit3A_298 : f32 to vector<64x192xf32>
    %select_n3A_300 = arith.select %le3A_297, %sub3A_285, %broadcast_in_dim3A_299 : vector<64x192xi1>, vector<64x192xf32>
    %le3A_301 = arith.cmpf ole, %mul3A_282, %sub3A_295 : vector<64x192xf32>
    %jit3A_302 = arith.constant 0.000000e+00 : f32
    %broadcast_in_dim3A_303 = vector.broadcast %jit3A_302 : f32 to vector<64x192xf32>
    %select_n3A_304 = arith.select %le3A_301, %sub3A_294, %broadcast_in_dim3A_303 : vector<64x192xi1>, vector<64x192xf32>
    %add3A_305 = arith.addf %select_n3A_300, %select_n3A_304 : vector<64x192xf32>
    %mul3A_306 = arith.mulf %mul3A_296, %add3A_305 : vector<64x192xf32>
    %sub3A_307 = arith.subf %sub3A_274, %mul3A_280 : vector<64x192xf32>
    %mul3A_308 = arith.mulf %sub3A_284, %sub3A_288 : vector<64x192xf32>
    %le3A_309 = arith.cmpf ole, %mul3A_281, %sub3A_307 : vector<64x192xf32>
    %jit3A_310 = arith.constant 0.000000e+00 : f32
    %broadcast_in_dim3A_311 = vector.broadcast %jit3A_310 : f32 to vector<64x192xf32>
    %select_n3A_312 = arith.select %le3A_309, %sub3A_285, %broadcast_in_dim3A_311 : vector<64x192xi1>, vector<64x192xf32>
    %le3A_313 = arith.cmpf ole, %mul3A_282, %sub3A_307 : vector<64x192xf32>
    %jit3A_314 = arith.constant 0.000000e+00 : f32
    %broadcast_in_dim3A_315 = vector.broadcast %jit3A_314 : f32 to vector<64x192xf32>
    %select_n3A_316 = arith.select %le3A_313, %sub3A_294, %broadcast_in_dim3A_315 : vector<64x192xi1>, vector<64x192xf32>
    %add3A_317 = arith.addf %select_n3A_312, %select_n3A_316 : vector<64x192xf32>
    %mul3A_318 = arith.mulf %mul3A_308, %add3A_317 : vector<64x192xf32>
    %add3A_319 = arith.addf %mul3A_306, %mul3A_318 : vector<64x192xf32>
    %sub3A_320 = arith.subf %sub3A_278, %mul3A_279 : vector<64x192xf32>
    %mul3A_321 = arith.mulf %sub3A_291, %sub3A_283 : vector<64x192xf32>
    %le3A_322 = arith.cmpf ole, %mul3A_281, %sub3A_320 : vector<64x192xf32>
    %jit3A_323 = arith.constant 0.000000e+00 : f32
    %broadcast_in_dim3A_324 = vector.broadcast %jit3A_323 : f32 to vector<64x192xf32>
    %select_n3A_325 = arith.select %le3A_322, %sub3A_285, %broadcast_in_dim3A_324 : vector<64x192xi1>, vector<64x192xf32>
    %le3A_326 = arith.cmpf ole, %mul3A_282, %sub3A_320 : vector<64x192xf32>
    %jit3A_327 = arith.constant 0.000000e+00 : f32
    %broadcast_in_dim3A_328 = vector.broadcast %jit3A_327 : f32 to vector<64x192xf32>
    %select_n3A_329 = arith.select %le3A_326, %sub3A_294, %broadcast_in_dim3A_328 : vector<64x192xi1>, vector<64x192xf32>
    %add3A_330 = arith.addf %select_n3A_325, %select_n3A_329 : vector<64x192xf32>
    %mul3A_331 = arith.mulf %mul3A_321, %add3A_330 : vector<64x192xf32>
    %add3A_332 = arith.addf %add3A_319, %mul3A_331 : vector<64x192xf32>
    %sub3A_333 = arith.subf %sub3A_278, %mul3A_280 : vector<64x192xf32>
    %mul3A_334 = arith.mulf %sub3A_291, %sub3A_288 : vector<64x192xf32>
    %le3A_335 = arith.cmpf ole, %mul3A_281, %sub3A_333 : vector<64x192xf32>
    %jit3A_336 = arith.constant 0.000000e+00 : f32
    %broadcast_in_dim3A_337 = vector.broadcast %jit3A_336 : f32 to vector<64x192xf32>
    %select_n3A_338 = arith.select %le3A_335, %sub3A_285, %broadcast_in_dim3A_337 : vector<64x192xi1>, vector<64x192xf32>
    %le3A_339 = arith.cmpf ole, %mul3A_282, %sub3A_333 : vector<64x192xf32>
    %jit3A_340 = arith.constant 0.000000e+00 : f32
    %broadcast_in_dim3A_341 = vector.broadcast %jit3A_340 : f32 to vector<64x192xf32>
    %select_n3A_342 = arith.select %le3A_339, %sub3A_294, %broadcast_in_dim3A_341 : vector<64x192xi1>, vector<64x192xf32>
    %add3A_343 = arith.addf %select_n3A_338, %select_n3A_342 : vector<64x192xf32>
    %mul3A_344 = arith.mulf %mul3A_334, %add3A_343 : vector<64x192xf32>
    %add3A_345 = arith.addf %add3A_332, %mul3A_344 : vector<64x192xf32>
    %swap3A_346 = arith.constant 0 : index
    %swap3A_347 = arith.constant 1 : index
    %swap3A_348 = arith.constant 0 : index
    %swap3A_349 = arith.constant 0 : index
    %swap3A_350 = vector.load %arg6[%swap3A_346, %swap3A_347, %swap3A_348, %swap3A_349] : memref<1x8x64x192xf32, #tpu.memory_space<vmem>>, vector<1x1x64x192xf32>
    %swap3A_351 = vector.shape_cast %swap3A_350 : vector<1x1x64x192xf32> to vector<64x192xf32>
    %swap3A_352 = vector.shape_cast %add3A_345 : vector<64x192xf32> to vector<1x1x64x192xf32>
    tpu.vector_store %arg6[%swap3A_346, %swap3A_347, %swap3A_348, %swap3A_349], %swap3A_352 {strides = array<i32>} : memref<1x8x64x192xf32, #tpu.memory_space<vmem>>, vector<1x1x64x192xf32>,
    %slice3A_353 = vector.extract_strided_slice %dot_general3A_21 {offsets = [128, 0], sizes = [64, 192], strides = [1, 1]} : vector<512x768xf32> to vector<64x192xf32>
    %slice3A_354 = vector.extract_strided_slice %dot_general3A_21 {offsets = [128, 256], sizes = [64, 192], strides = [1, 1]} : vector<512x768xf32> to vector<64x192xf32>
    %slice3A_355 = vector.extract_strided_slice %dot_general3A_21 {offsets = [128, 512], sizes = [64, 192], strides = [1, 1]} : vector<512x768xf32> to vector<64x192xf32>
    %add3A_356 = arith.constant 2 : i32
    %add3A_357 = arith.addi %mul3A_11, %add3A_356 : i32
    %get3A_358 = arith.constant 0 : index
    %get3A_359 = arith.index_cast %add3A_357 : i32 to index
    %get3A_360 = memref.load %arg5[%get3A_358, %get3A_359] : memref<2x32xf32, #tpu.memory_space<smem>>
    %add3A_361 = arith.constant 2 : i32
    %add3A_362 = arith.addi %mul3A_11, %add3A_361 : i32
    %get3A_363 = arith.constant 1 : index
    %get3A_364 = arith.index_cast %add3A_362 : i32 to index
    %get3A_365 = memref.load %arg5[%get3A_363, %get3A_364] : memref<2x32xf32, #tpu.memory_space<smem>>
    %mul3A_366 = arith.mulf %slice3A_353, %get3A_1 : vector<64x192xf32>
    %add3A_367 = arith.addf %mul3A_366, %get3A_4 : vector<64x192xf32>
    %mul3A_368 = vector.broadcast %get3A_360 : f32 to vector<64x192xf32>
    %mul3A_369 = arith.mulf %slice3A_354, %mul3A_368 : vector<64x192xf32>
    %add3A_370 = vector.broadcast %get3A_365 : f32 to vector<64x192xf32>
    %add3A_371 = arith.addf %mul3A_369, %add3A_370 : vector<64x192xf32>
    %mul3A_372 = vector.broadcast %get3A_7 : vector<1x192xf32> to vector<64x192xf32>
    %mul3A_373 = arith.mulf %slice3A_355, %mul3A_372 : vector<64x192xf32>
    %add3A_374 = vector.broadcast %get3A_10 : vector<1x192xf32> to vector<64x192xf32>
    %add3A_375 = arith.addf %mul3A_373, %add3A_374 : vector<64x192xf32>
    %floor3A_376 = math.floor %add3A_367 : vector<64x192xf32>
    %floor3A_377 = math.floor %add3A_371 : vector<64x192xf32>
    %floor3A_378 = math.floor %add3A_375 : vector<64x192xf32>
    %jit3A_379 = arith.constant 0.000000e+00 : f32
    %jit3A_380 = arith.constant 6.300000e+01 : f32
    %max3A_381 = vector.broadcast %jit3A_379 : f32 to vector<64x192xf32>
    %max3A_382 = arith.maximumf %max3A_381, %floor3A_376 : vector<64x192xf32>
    %min3A_383 = vector.broadcast %jit3A_380 : f32 to vector<64x192xf32>
    %min3A_384 = arith.minimumf %min3A_383, %max3A_382 : vector<64x192xf32>
    %add3A_385 = arith.constant 1.000000e+00 : f32
    %add3A_386 = vector.broadcast %add3A_385 : f32 to vector<64x192xf32>
    %add3A_387 = arith.addf %floor3A_376, %add3A_386 : vector<64x192xf32>
    %jit3A_388 = arith.constant 0.000000e+00 : f32
    %jit3A_389 = arith.constant 6.300000e+01 : f32
    %max3A_390 = vector.broadcast %jit3A_388 : f32 to vector<64x192xf32>
    %max3A_391 = arith.maximumf %max3A_390, %add3A_387 : vector<64x192xf32>
    %min3A_392 = vector.broadcast %jit3A_389 : f32 to vector<64x192xf32>
    %min3A_393 = arith.minimumf %min3A_392, %max3A_391 : vector<64x192xf32>
    %jit3A_394 = arith.constant 0.000000e+00 : f32
    %jit3A_395 = arith.constant 3.100000e+01 : f32
    %max3A_396 = vector.broadcast %jit3A_394 : f32 to vector<64x192xf32>
    %max3A_397 = arith.maximumf %max3A_396, %floor3A_377 : vector<64x192xf32>
    %min3A_398 = vector.broadcast %jit3A_395 : f32 to vector<64x192xf32>
    %min3A_399 = arith.minimumf %min3A_398, %max3A_397 : vector<64x192xf32>
    %add3A_400 = arith.constant 1.000000e+00 : f32
    %add3A_401 = vector.broadcast %add3A_400 : f32 to vector<64x192xf32>
    %add3A_402 = arith.addf %floor3A_377, %add3A_401 : vector<64x192xf32>
    %jit3A_403 = arith.constant 0.000000e+00 : f32
    %jit3A_404 = arith.constant 3.100000e+01 : f32
    %max3A_405 = vector.broadcast %jit3A_403 : f32 to vector<64x192xf32>
    %max3A_406 = arith.maximumf %max3A_405, %add3A_402 : vector<64x192xf32>
    %min3A_407 = vector.broadcast %jit3A_404 : f32 to vector<64x192xf32>
    %min3A_408 = arith.minimumf %min3A_407, %max3A_406 : vector<64x192xf32>
    %jit3A_409 = arith.constant 0.000000e+00 : f32
    %jit3A_410 = arith.constant 6.300000e+01 : f32
    %max3A_411 = vector.broadcast %jit3A_409 : f32 to vector<64x192xf32>
    %max3A_412 = arith.maximumf %max3A_411, %floor3A_378 : vector<64x192xf32>
    %min3A_413 = vector.broadcast %jit3A_410 : f32 to vector<64x192xf32>
    %min3A_414 = arith.minimumf %min3A_413, %max3A_412 : vector<64x192xf32>
    %add3A_415 = arith.constant 1.000000e+00 : f32
    %add3A_416 = vector.broadcast %add3A_415 : f32 to vector<64x192xf32>
    %add3A_417 = arith.addf %floor3A_378, %add3A_416 : vector<64x192xf32>
    %jit3A_418 = arith.constant 0.000000e+00 : f32
    %jit3A_419 = arith.constant 6.300000e+01 : f32
    %max3A_420 = vector.broadcast %jit3A_418 : f32 to vector<64x192xf32>
    %max3A_421 = arith.maximumf %max3A_420, %add3A_417 : vector<64x192xf32>
    %min3A_422 = vector.broadcast %jit3A_419 : f32 to vector<64x192xf32>
    %min3A_423 = arith.minimumf %min3A_422, %max3A_421 : vector<64x192xf32>
    %sub3A_424 = arith.constant 8.000000e+00 : f32
    %sub3A_425 = vector.broadcast %sub3A_424 : f32 to vector<64x192xf32>
    %sub3A_426 = arith.subf %min3A_399, %sub3A_425 : vector<64x192xf32>
    %sub3A_427 = arith.constant 8.000000e+00 : f32
    %sub3A_428 = vector.broadcast %sub3A_427 : f32 to vector<64x192xf32>
    %sub3A_429 = arith.subf %min3A_408, %sub3A_428 : vector<64x192xf32>
    %sub3A_430 = arith.constant 1.000000e+01 : f32
    %sub3A_431 = vector.broadcast %sub3A_430 : f32 to vector<64x192xf32>
    %sub3A_432 = arith.subf %min3A_384, %sub3A_431 : vector<64x192xf32>
    %sub3A_433 = arith.constant 1.000000e+01 : f32
    %sub3A_434 = vector.broadcast %sub3A_433 : f32 to vector<64x192xf32>
    %sub3A_435 = arith.subf %min3A_393, %sub3A_434 : vector<64x192xf32>
    %sub3A_436 = arith.constant 1.000000e+01 : f32
    %sub3A_437 = vector.broadcast %sub3A_436 : f32 to vector<64x192xf32>
    %sub3A_438 = arith.subf %min3A_414, %sub3A_437 : vector<64x192xf32>
    %sub3A_439 = arith.constant 1.000000e+01 : f32
    %sub3A_440 = vector.broadcast %sub3A_439 : f32 to vector<64x192xf32>
    %sub3A_441 = arith.subf %min3A_423, %sub3A_440 : vector<64x192xf32>
    %mul3A_442 = arith.mulf %sub3A_426, %sub3A_426 : vector<64x192xf32>
    %sub3A_443 = arith.constant 1.210000e+02 : f32
    %sub3A_444 = vector.broadcast %sub3A_443 : f32 to vector<64x192xf32>
    %sub3A_445 = arith.subf %sub3A_444, %mul3A_442 : vector<64x192xf32>
    %mul3A_446 = arith.mulf %sub3A_429, %sub3A_429 : vector<64x192xf32>
    %sub3A_447 = arith.constant 1.210000e+02 : f32
    %sub3A_448 = vector.broadcast %sub3A_447 : f32 to vector<64x192xf32>
    %sub3A_449 = arith.subf %sub3A_448, %mul3A_446 : vector<64x192xf32>
    %mul3A_450 = arith.mulf %sub3A_432, %sub3A_432 : vector<64x192xf32>
    %mul3A_451 = arith.mulf %sub3A_435, %sub3A_435 : vector<64x192xf32>
    %mul3A_452 = arith.mulf %sub3A_438, %sub3A_438 : vector<64x192xf32>
    %mul3A_453 = arith.mulf %sub3A_441, %sub3A_441 : vector<64x192xf32>
    %sub3A_454 = arith.subf %min3A_393, %add3A_367 : vector<64x192xf32>
    %sub3A_455 = arith.subf %min3A_408, %add3A_371 : vector<64x192xf32>
    %sub3A_456 = arith.subf %min3A_423, %add3A_375 : vector<64x192xf32>
    %sub3A_457 = arith.constant 1.000000e+00 : f32
    %sub3A_458 = vector.broadcast %sub3A_457 : f32 to vector<64x192xf32>
    %sub3A_459 = arith.subf %sub3A_458, %sub3A_454 : vector<64x192xf32>
    %sub3A_460 = arith.constant 1.000000e+00 : f32
    %sub3A_461 = vector.broadcast %sub3A_460 : f32 to vector<64x192xf32>
    %sub3A_462 = arith.subf %sub3A_461, %sub3A_455 : vector<64x192xf32>
    %sub3A_463 = arith.constant 1.000000e+00 : f32
    %sub3A_464 = vector.broadcast %sub3A_463 : f32 to vector<64x192xf32>
    %sub3A_465 = arith.subf %sub3A_464, %sub3A_456 : vector<64x192xf32>
    %sub3A_466 = arith.subf %sub3A_445, %mul3A_450 : vector<64x192xf32>
    %mul3A_467 = arith.mulf %sub3A_455, %sub3A_454 : vector<64x192xf32>
    %le3A_468 = arith.cmpf ole, %mul3A_452, %sub3A_466 : vector<64x192xf32>
    %jit3A_469 = arith.constant 0.000000e+00 : f32
    %broadcast_in_dim3A_470 = vector.broadcast %jit3A_469 : f32 to vector<64x192xf32>
    %select_n3A_471 = arith.select %le3A_468, %sub3A_456, %broadcast_in_dim3A_470 : vector<64x192xi1>, vector<64x192xf32>
    %le3A_472 = arith.cmpf ole, %mul3A_453, %sub3A_466 : vector<64x192xf32>
    %jit3A_473 = arith.constant 0.000000e+00 : f32
    %broadcast_in_dim3A_474 = vector.broadcast %jit3A_473 : f32 to vector<64x192xf32>
    %select_n3A_475 = arith.select %le3A_472, %sub3A_465, %broadcast_in_dim3A_474 : vector<64x192xi1>, vector<64x192xf32>
    %add3A_476 = arith.addf %select_n3A_471, %select_n3A_475 : vector<64x192xf32>
    %mul3A_477 = arith.mulf %mul3A_467, %add3A_476 : vector<64x192xf32>
    %sub3A_478 = arith.subf %sub3A_445, %mul3A_451 : vector<64x192xf32>
    %mul3A_479 = arith.mulf %sub3A_455, %sub3A_459 : vector<64x192xf32>
    %le3A_480 = arith.cmpf ole, %mul3A_452, %sub3A_478 : vector<64x192xf32>
    %jit3A_481 = arith.constant 0.000000e+00 : f32
    %broadcast_in_dim3A_482 = vector.broadcast %jit3A_481 : f32 to vector<64x192xf32>
    %select_n3A_483 = arith.select %le3A_480, %sub3A_456, %broadcast_in_dim3A_482 : vector<64x192xi1>, vector<64x192xf32>
    %le3A_484 = arith.cmpf ole, %mul3A_453, %sub3A_478 : vector<64x192xf32>
    %jit3A_485 = arith.constant 0.000000e+00 : f32
    %broadcast_in_dim3A_486 = vector.broadcast %jit3A_485 : f32 to vector<64x192xf32>
    %select_n3A_487 = arith.select %le3A_484, %sub3A_465, %broadcast_in_dim3A_486 : vector<64x192xi1>, vector<64x192xf32>
    %add3A_488 = arith.addf %select_n3A_483, %select_n3A_487 : vector<64x192xf32>
    %mul3A_489 = arith.mulf %mul3A_479, %add3A_488 : vector<64x192xf32>
    %add3A_490 = arith.addf %mul3A_477, %mul3A_489 : vector<64x192xf32>
    %sub3A_491 = arith.subf %sub3A_449, %mul3A_450 : vector<64x192xf32>
    %mul3A_492 = arith.mulf %sub3A_462, %sub3A_454 : vector<64x192xf32>
    %le3A_493 = arith.cmpf ole, %mul3A_452, %sub3A_491 : vector<64x192xf32>
    %jit3A_494 = arith.constant 0.000000e+00 : f32
    %broadcast_in_dim3A_495 = vector.broadcast %jit3A_494 : f32 to vector<64x192xf32>
    %select_n3A_496 = arith.select %le3A_493, %sub3A_456, %broadcast_in_dim3A_495 : vector<64x192xi1>, vector<64x192xf32>
    %le3A_497 = arith.cmpf ole, %mul3A_453, %sub3A_491 : vector<64x192xf32>
    %jit3A_498 = arith.constant 0.000000e+00 : f32
    %broadcast_in_dim3A_499 = vector.broadcast %jit3A_498 : f32 to vector<64x192xf32>
    %select_n3A_500 = arith.select %le3A_497, %sub3A_465, %broadcast_in_dim3A_499 : vector<64x192xi1>, vector<64x192xf32>
    %add3A_501 = arith.addf %select_n3A_496, %select_n3A_500 : vector<64x192xf32>
    %mul3A_502 = arith.mulf %mul3A_492, %add3A_501 : vector<64x192xf32>
    %add3A_503 = arith.addf %add3A_490, %mul3A_502 : vector<64x192xf32>
    %sub3A_504 = arith.subf %sub3A_449, %mul3A_451 : vector<64x192xf32>
    %mul3A_505 = arith.mulf %sub3A_462, %sub3A_459 : vector<64x192xf32>
    %le3A_506 = arith.cmpf ole, %mul3A_452, %sub3A_504 : vector<64x192xf32>
    %jit3A_507 = arith.constant 0.000000e+00 : f32
    %broadcast_in_dim3A_508 = vector.broadcast %jit3A_507 : f32 to vector<64x192xf32>
    %select_n3A_509 = arith.select %le3A_506, %sub3A_456, %broadcast_in_dim3A_508 : vector<64x192xi1>, vector<64x192xf32>
    %le3A_510 = arith.cmpf ole, %mul3A_453, %sub3A_504 : vector<64x192xf32>
    %jit3A_511 = arith.constant 0.000000e+00 : f32
    %broadcast_in_dim3A_512 = vector.broadcast %jit3A_511 : f32 to vector<64x192xf32>
    %select_n3A_513 = arith.select %le3A_510, %sub3A_465, %broadcast_in_dim3A_512 : vector<64x192xi1>, vector<64x192xf32>
    %add3A_514 = arith.addf %select_n3A_509, %select_n3A_513 : vector<64x192xf32>
    %mul3A_515 = arith.mulf %mul3A_505, %add3A_514 : vector<64x192xf32>
    %add3A_516 = arith.addf %add3A_503, %mul3A_515 : vector<64x192xf32>
    %swap3A_517 = arith.constant 0 : index
    %swap3A_518 = arith.constant 2 : index
    %swap3A_519 = arith.constant 0 : index
    %swap3A_520 = arith.constant 0 : index
    %swap3A_521 = vector.load %arg6[%swap3A_517, %swap3A_518, %swap3A_519, %swap3A_520] : memref<1x8x64x192xf32, #tpu.memory_space<vmem>>, vector<1x1x64x192xf32>
    %swap3A_522 = vector.shape_cast %swap3A_521 : vector<1x1x64x192xf32> to vector<64x192xf32>
    %swap3A_523 = vector.shape_cast %add3A_516 : vector<64x192xf32> to vector<1x1x64x192xf32>
    tpu.vector_store %arg6[%swap3A_517, %swap3A_518, %swap3A_519, %swap3A_520], %swap3A_523 {strides = array<i32>} : memref<1x8x64x192xf32, #tpu.memory_space<vmem>>, vector<1x1x64x192xf32>,
    %slice3A_524 = vector.extract_strided_slice %dot_general3A_21 {offsets = [192, 0], sizes = [64, 192], strides = [1, 1]} : vector<512x768xf32> to vector<64x192xf32>
    %slice3A_525 = vector.extract_strided_slice %dot_general3A_21 {offsets = [192, 256], sizes = [64, 192], strides = [1, 1]} : vector<512x768xf32> to vector<64x192xf32>
    %slice3A_526 = vector.extract_strided_slice %dot_general3A_21 {offsets = [192, 512], sizes = [64, 192], strides = [1, 1]} : vector<512x768xf32> to vector<64x192xf32>
    %add3A_527 = arith.constant 3 : i32
    %add3A_528 = arith.addi %mul3A_11, %add3A_527 : i32
    %get3A_529 = arith.constant 0 : index
    %get3A_530 = arith.index_cast %add3A_528 : i32 to index
    %get3A_531 = memref.load %arg5[%get3A_529, %get3A_530] : memref<2x32xf32, #tpu.memory_space<smem>>
    %add3A_532 = arith.constant 3 : i32
    %add3A_533 = arith.addi %mul3A_11, %add3A_532 : i32
    %get3A_534 = arith.constant 1 : index
    %get3A_535 = arith.index_cast %add3A_533 : i32 to index
    %get3A_536 = memref.load %arg5[%get3A_534, %get3A_535] : memref<2x32xf32, #tpu.memory_space<smem>>
    %mul3A_537 = arith.mulf %slice3A_524, %get3A_1 : vector<64x192xf32>
    %add3A_538 = arith.addf %mul3A_537, %get3A_4 : vector<64x192xf32>
    %mul3A_539 = vector.broadcast %get3A_531 : f32 to vector<64x192xf32>
    %mul3A_540 = arith.mulf %slice3A_525, %mul3A_539 : vector<64x192xf32>
    %add3A_541 = vector.broadcast %get3A_536 : f32 to vector<64x192xf32>
    %add3A_542 = arith.addf %mul3A_540, %add3A_541 : vector<64x192xf32>
    %mul3A_543 = vector.broadcast %get3A_7 : vector<1x192xf32> to vector<64x192xf32>
    %mul3A_544 = arith.mulf %slice3A_526, %mul3A_543 : vector<64x192xf32>
    %add3A_545 = vector.broadcast %get3A_10 : vector<1x192xf32> to vector<64x192xf32>
    %add3A_546 = arith.addf %mul3A_544, %add3A_545 : vector<64x192xf32>
    %floor3A_547 = math.floor %add3A_538 : vector<64x192xf32>
    %floor3A_548 = math.floor %add3A_542 : vector<64x192xf32>
    %floor3A_549 = math.floor %add3A_546 : vector<64x192xf32>
    %jit3A_550 = arith.constant 0.000000e+00 : f32
    %jit3A_551 = arith.constant 6.300000e+01 : f32
    %max3A_552 = vector.broadcast %jit3A_550 : f32 to vector<64x192xf32>
    %max3A_553 = arith.maximumf %max3A_552, %floor3A_547 : vector<64x192xf32>
    %min3A_554 = vector.broadcast %jit3A_551 : f32 to vector<64x192xf32>
    %min3A_555 = arith.minimumf %min3A_554, %max3A_553 : vector<64x192xf32>
    %add3A_556 = arith.constant 1.000000e+00 : f32
    %add3A_557 = vector.broadcast %add3A_556 : f32 to vector<64x192xf32>
    %add3A_558 = arith.addf %floor3A_547, %add3A_557 : vector<64x192xf32>
    %jit3A_559 = arith.constant 0.000000e+00 : f32
    %jit3A_560 = arith.constant 6.300000e+01 : f32
    %max3A_561 = vector.broadcast %jit3A_559 : f32 to vector<64x192xf32>
    %max3A_562 = arith.maximumf %max3A_561, %add3A_558 : vector<64x192xf32>
    %min3A_563 = vector.broadcast %jit3A_560 : f32 to vector<64x192xf32>
    %min3A_564 = arith.minimumf %min3A_563, %max3A_562 : vector<64x192xf32>
    %jit3A_565 = arith.constant 0.000000e+00 : f32
    %jit3A_566 = arith.constant 3.100000e+01 : f32
    %max3A_567 = vector.broadcast %jit3A_565 : f32 to vector<64x192xf32>
    %max3A_568 = arith.maximumf %max3A_567, %floor3A_548 : vector<64x192xf32>
    %min3A_569 = vector.broadcast %jit3A_566 : f32 to vector<64x192xf32>
    %min3A_570 = arith.minimumf %min3A_569, %max3A_568 : vector<64x192xf32>
    %add3A_571 = arith.constant 1.000000e+00 : f32
    %add3A_572 = vector.broadcast %add3A_571 : f32 to vector<64x192xf32>
    %add3A_573 = arith.addf %floor3A_548, %add3A_572 : vector<64x192xf32>
    %jit3A_574 = arith.constant 0.000000e+00 : f32
    %jit3A_575 = arith.constant 3.100000e+01 : f32
    %max3A_576 = vector.broadcast %jit3A_574 : f32 to vector<64x192xf32>
    %max3A_577 = arith.maximumf %max3A_576, %add3A_573 : vector<64x192xf32>
    %min3A_578 = vector.broadcast %jit3A_575 : f32 to vector<64x192xf32>
    %min3A_579 = arith.minimumf %min3A_578, %max3A_577 : vector<64x192xf32>
    %jit3A_580 = arith.constant 0.000000e+00 : f32
    %jit3A_581 = arith.constant 6.300000e+01 : f32
    %max3A_582 = vector.broadcast %jit3A_580 : f32 to vector<64x192xf32>
    %max3A_583 = arith.maximumf %max3A_582, %floor3A_549 : vector<64x192xf32>
    %min3A_584 = vector.broadcast %jit3A_581 : f32 to vector<64x192xf32>
    %min3A_585 = arith.minimumf %min3A_584, %max3A_583 : vector<64x192xf32>
    %add3A_586 = arith.constant 1.000000e+00 : f32
    %add3A_587 = vector.broadcast %add3A_586 : f32 to vector<64x192xf32>
    %add3A_588 = arith.addf %floor3A_549, %add3A_587 : vector<64x192xf32>
    %jit3A_589 = arith.constant 0.000000e+00 : f32
    %jit3A_590 = arith.constant 6.300000e+01 : f32
    %max3A_591 = vector.broadcast %jit3A_589 : f32 to vector<64x192xf32>
    %max3A_592 = arith.maximumf %max3A_591, %add3A_588 : vector<64x192xf32>
    %min3A_593 = vector.broadcast %jit3A_590 : f32 to vector<64x192xf32>
    %min3A_594 = arith.minimumf %min3A_593, %max3A_592 : vector<64x192xf32>
    %sub3A_595 = arith.constant 8.000000e+00 : f32
    %sub3A_596 = vector.broadcast %sub3A_595 : f32 to vector<64x192xf32>
    %sub3A_597 = arith.subf %min3A_570, %sub3A_596 : vector<64x192xf32>
    %sub3A_598 = arith.constant 8.000000e+00 : f32
    %sub3A_599 = vector.broadcast %sub3A_598 : f32 to vector<64x192xf32>
    %sub3A_600 = arith.subf %min3A_579, %sub3A_599 : vector<64x192xf32>
    %sub3A_601 = arith.constant 1.000000e+01 : f32
    %sub3A_602 = vector.broadcast %sub3A_601 : f32 to vector<64x192xf32>
    %sub3A_603 = arith.subf %min3A_555, %sub3A_602 : vector<64x192xf32>
    %sub3A_604 = arith.constant 1.000000e+01 : f32
    %sub3A_605 = vector.broadcast %sub3A_604 : f32 to vector<64x192xf32>
    %sub3A_606 = arith.subf %min3A_564, %sub3A_605 : vector<64x192xf32>
    %sub3A_607 = arith.constant 1.000000e+01 : f32
    %sub3A_608 = vector.broadcast %sub3A_607 : f32 to vector<64x192xf32>
    %sub3A_609 = arith.subf %min3A_585, %sub3A_608 : vector<64x192xf32>
    %sub3A_610 = arith.constant 1.000000e+01 : f32
    %sub3A_611 = vector.broadcast %sub3A_610 : f32 to vector<64x192xf32>
    %sub3A_612 = arith.subf %min3A_594, %sub3A_611 : vector<64x192xf32>
    %mul3A_613 = arith.mulf %sub3A_597, %sub3A_597 : vector<64x192xf32>
    %sub3A_614 = arith.constant 1.210000e+02 : f32
    %sub3A_615 = vector.broadcast %sub3A_614 : f32 to vector<64x192xf32>
    %sub3A_616 = arith.subf %sub3A_615, %mul3A_613 : vector<64x192xf32>
    %mul3A_617 = arith.mulf %sub3A_600, %sub3A_600 : vector<64x192xf32>
    %sub3A_618 = arith.constant 1.210000e+02 : f32
    %sub3A_619 = vector.broadcast %sub3A_618 : f32 to vector<64x192xf32>
    %sub3A_620 = arith.subf %sub3A_619, %mul3A_617 : vector<64x192xf32>
    %mul3A_621 = arith.mulf %sub3A_603, %sub3A_603 : vector<64x192xf32>
    %mul3A_622 = arith.mulf %sub3A_606, %sub3A_606 : vector<64x192xf32>
    %mul3A_623 = arith.mulf %sub3A_609, %sub3A_609 : vector<64x192xf32>
    %mul3A_624 = arith.mulf %sub3A_612, %sub3A_612 : vector<64x192xf32>
    %sub3A_625 = arith.subf %min3A_564, %add3A_538 : vector<64x192xf32>
    %sub3A_626 = arith.subf %min3A_579, %add3A_542 : vector<64x192xf32>
    %sub3A_627 = arith.subf %min3A_594, %add3A_546 : vector<64x192xf32>
    %sub3A_628 = arith.constant 1.000000e+00 : f32
    %sub3A_629 = vector.broadcast %sub3A_628 : f32 to vector<64x192xf32>
    %sub3A_630 = arith.subf %sub3A_629, %sub3A_625 : vector<64x192xf32>
    %sub3A_631 = arith.constant 1.000000e+00 : f32
    %sub3A_632 = vector.broadcast %sub3A_631 : f32 to vector<64x192xf32>
    %sub3A_633 = arith.subf %sub3A_632, %sub3A_626 : vector<64x192xf32>
    %sub3A_634 = arith.constant 1.000000e+00 : f32
    %sub3A_635 = vector.broadcast %sub3A_634 : f32 to vector<64x192xf32>
    %sub3A_636 = arith.subf %sub3A_635, %sub3A_627 : vector<64x192xf32>
    %sub3A_637 = arith.subf %sub3A_616, %mul3A_621 : vector<64x192xf32>
    %mul3A_638 = arith.mulf %sub3A_626, %sub3A_625 : vector<64x192xf32>
    %le3A_639 = arith.cmpf ole, %mul3A_623, %sub3A_637 : vector<64x192xf32>
    %jit3A_640 = arith.constant 0.000000e+00 : f32
    %broadcast_in_dim3A_641 = vector.broadcast %jit3A_640 : f32 to vector<64x192xf32>
    %select_n3A_642 = arith.select %le3A_639, %sub3A_627, %broadcast_in_dim3A_641 : vector<64x192xi1>, vector<64x192xf32>
    %le3A_643 = arith.cmpf ole, %mul3A_624, %sub3A_637 : vector<64x192xf32>
    %jit3A_644 = arith.constant 0.000000e+00 : f32
    %broadcast_in_dim3A_645 = vector.broadcast %jit3A_644 : f32 to vector<64x192xf32>
    %select_n3A_646 = arith.select %le3A_643, %sub3A_636, %broadcast_in_dim3A_645 : vector<64x192xi1>, vector<64x192xf32>
    %add3A_647 = arith.addf %select_n3A_642, %select_n3A_646 : vector<64x192xf32>
    %mul3A_648 = arith.mulf %mul3A_638, %add3A_647 : vector<64x192xf32>
    %sub3A_649 = arith.subf %sub3A_616, %mul3A_622 : vector<64x192xf32>
    %mul3A_650 = arith.mulf %sub3A_626, %sub3A_630 : vector<64x192xf32>
    %le3A_651 = arith.cmpf ole, %mul3A_623, %sub3A_649 : vector<64x192xf32>
    %jit3A_652 = arith.constant 0.000000e+00 : f32
    %broadcast_in_dim3A_653 = vector.broadcast %jit3A_652 : f32 to vector<64x192xf32>
    %select_n3A_654 = arith.select %le3A_651, %sub3A_627, %broadcast_in_dim3A_653 : vector<64x192xi1>, vector<64x192xf32>
    %le3A_655 = arith.cmpf ole, %mul3A_624, %sub3A_649 : vector<64x192xf32>
    %jit3A_656 = arith.constant 0.000000e+00 : f32
    %broadcast_in_dim3A_657 = vector.broadcast %jit3A_656 : f32 to vector<64x192xf32>
    %select_n3A_658 = arith.select %le3A_655, %sub3A_636, %broadcast_in_dim3A_657 : vector<64x192xi1>, vector<64x192xf32>
    %add3A_659 = arith.addf %select_n3A_654, %select_n3A_658 : vector<64x192xf32>
    %mul3A_660 = arith.mulf %mul3A_650, %add3A_659 : vector<64x192xf32>
    %add3A_661 = arith.addf %mul3A_648, %mul3A_660 : vector<64x192xf32>
    %sub3A_662 = arith.subf %sub3A_620, %mul3A_621 : vector<64x192xf32>
    %mul3A_663 = arith.mulf %sub3A_633, %sub3A_625 : vector<64x192xf32>
    %le3A_664 = arith.cmpf ole, %mul3A_623, %sub3A_662 : vector<64x192xf32>
    %jit3A_665 = arith.constant 0.000000e+00 : f32
    %broadcast_in_dim3A_666 = vector.broadcast %jit3A_665 : f32 to vector<64x192xf32>
    %select_n3A_667 = arith.select %le3A_664, %sub3A_627, %broadcast_in_dim3A_666 : vector<64x192xi1>, vector<64x192xf32>
    %le3A_668 = arith.cmpf ole, %mul3A_624, %sub3A_662 : vector<64x192xf32>
    %jit3A_669 = arith.constant 0.000000e+00 : f32
    %broadcast_in_dim3A_670 = vector.broadcast %jit3A_669 : f32 to vector<64x192xf32>
    %select_n3A_671 = arith.select %le3A_668, %sub3A_636, %broadcast_in_dim3A_670 : vector<64x192xi1>, vector<64x192xf32>
    %add3A_672 = arith.addf %select_n3A_667, %select_n3A_671 : vector<64x192xf32>
    %mul3A_673 = arith.mulf %mul3A_663, %add3A_672 : vector<64x192xf32>
    %add3A_674 = arith.addf %add3A_661, %mul3A_673 : vector<64x192xf32>
    %sub3A_675 = arith.subf %sub3A_620, %mul3A_622 : vector<64x192xf32>
    %mul3A_676 = arith.mulf %sub3A_633, %sub3A_630 : vector<64x192xf32>
    %le3A_677 = arith.cmpf ole, %mul3A_623, %sub3A_675 : vector<64x192xf32>
    %jit3A_678 = arith.constant 0.000000e+00 : f32
    %broadcast_in_dim3A_679 = vector.broadcast %jit3A_678 : f32 to vector<64x192xf32>
    %select_n3A_680 = arith.select %le3A_677, %sub3A_627, %broadcast_in_dim3A_679 : vector<64x192xi1>, vector<64x192xf32>
    %le3A_681 = arith.cmpf ole, %mul3A_624, %sub3A_675 : vector<64x192xf32>
    %jit3A_682 = arith.constant 0.000000e+00 : f32
    %broadcast_in_dim3A_683 = vector.broadcast %jit3A_682 : f32 to vector<64x192xf32>
    %select_n3A_684 = arith.select %le3A_681, %sub3A_636, %broadcast_in_dim3A_683 : vector<64x192xi1>, vector<64x192xf32>
    %add3A_685 = arith.addf %select_n3A_680, %select_n3A_684 : vector<64x192xf32>
    %mul3A_686 = arith.mulf %mul3A_676, %add3A_685 : vector<64x192xf32>
    %add3A_687 = arith.addf %add3A_674, %mul3A_686 : vector<64x192xf32>
    %swap3A_688 = arith.constant 0 : index
    %swap3A_689 = arith.constant 3 : index
    %swap3A_690 = arith.constant 0 : index
    %swap3A_691 = arith.constant 0 : index
    %swap3A_692 = vector.load %arg6[%swap3A_688, %swap3A_689, %swap3A_690, %swap3A_691] : memref<1x8x64x192xf32, #tpu.memory_space<vmem>>, vector<1x1x64x192xf32>
    %swap3A_693 = vector.shape_cast %swap3A_692 : vector<1x1x64x192xf32> to vector<64x192xf32>
    %swap3A_694 = vector.shape_cast %add3A_687 : vector<64x192xf32> to vector<1x1x64x192xf32>
    tpu.vector_store %arg6[%swap3A_688, %swap3A_689, %swap3A_690, %swap3A_691], %swap3A_694 {strides = array<i32>} : memref<1x8x64x192xf32, #tpu.memory_space<vmem>>, vector<1x1x64x192xf32>,
    %slice3A_695 = vector.extract_strided_slice %dot_general3A_21 {offsets = [256, 0], sizes = [64, 192], strides = [1, 1]} : vector<512x768xf32> to vector<64x192xf32>
    %slice3A_696 = vector.extract_strided_slice %dot_general3A_21 {offsets = [256, 256], sizes = [64, 192], strides = [1, 1]} : vector<512x768xf32> to vector<64x192xf32>
    %slice3A_697 = vector.extract_strided_slice %dot_general3A_21 {offsets = [256, 512], sizes = [64, 192], strides = [1, 1]} : vector<512x768xf32> to vector<64x192xf32>
    %add3A_698 = arith.constant 4 : i32
    %add3A_699 = arith.addi %mul3A_11, %add3A_698 : i32
    %get3A_700 = arith.constant 0 : index
    %get3A_701 = arith.index_cast %add3A_699 : i32 to index
    %get3A_702 = memref.load %arg5[%get3A_700, %get3A_701] : memref<2x32xf32, #tpu.memory_space<smem>>
    %add3A_703 = arith.constant 4 : i32
    %add3A_704 = arith.addi %mul3A_11, %add3A_703 : i32
    %get3A_705 = arith.constant 1 : index
    %get3A_706 = arith.index_cast %add3A_704 : i32 to index
    %get3A_707 = memref.load %arg5[%get3A_705, %get3A_706] : memref<2x32xf32, #tpu.memory_space<smem>>
    %mul3A_708 = arith.mulf %slice3A_695, %get3A_1 : vector<64x192xf32>
    %add3A_709 = arith.addf %mul3A_708, %get3A_4 : vector<64x192xf32>
    %mul3A_710 = vector.broadcast %get3A_702 : f32 to vector<64x192xf32>
    %mul3A_711 = arith.mulf %slice3A_696, %mul3A_710 : vector<64x192xf32>
    %add3A_712 = vector.broadcast %get3A_707 : f32 to vector<64x192xf32>
    %add3A_713 = arith.addf %mul3A_711, %add3A_712 : vector<64x192xf32>
    %mul3A_714 = vector.broadcast %get3A_7 : vector<1x192xf32> to vector<64x192xf32>
    %mul3A_715 = arith.mulf %slice3A_697, %mul3A_714 : vector<64x192xf32>
    %add3A_716 = vector.broadcast %get3A_10 : vector<1x192xf32> to vector<64x192xf32>
    %add3A_717 = arith.addf %mul3A_715, %add3A_716 : vector<64x192xf32>
    %floor3A_718 = math.floor %add3A_709 : vector<64x192xf32>
    %floor3A_719 = math.floor %add3A_713 : vector<64x192xf32>
    %floor3A_720 = math.floor %add3A_717 : vector<64x192xf32>
    %jit3A_721 = arith.constant 0.000000e+00 : f32
    %jit3A_722 = arith.constant 6.300000e+01 : f32
    %max3A_723 = vector.broadcast %jit3A_721 : f32 to vector<64x192xf32>
    %max3A_724 = arith.maximumf %max3A_723, %floor3A_718 : vector<64x192xf32>
    %min3A_725 = vector.broadcast %jit3A_722 : f32 to vector<64x192xf32>
    %min3A_726 = arith.minimumf %min3A_725, %max3A_724 : vector<64x192xf32>
    %add3A_727 = arith.constant 1.000000e+00 : f32
    %add3A_728 = vector.broadcast %add3A_727 : f32 to vector<64x192xf32>
    %add3A_729 = arith.addf %floor3A_718, %add3A_728 : vector<64x192xf32>
    %jit3A_730 = arith.constant 0.000000e+00 : f32
    %jit3A_731 = arith.constant 6.300000e+01 : f32
    %max3A_732 = vector.broadcast %jit3A_730 : f32 to vector<64x192xf32>
    %max3A_733 = arith.maximumf %max3A_732, %add3A_729 : vector<64x192xf32>
    %min3A_734 = vector.broadcast %jit3A_731 : f32 to vector<64x192xf32>
    %min3A_735 = arith.minimumf %min3A_734, %max3A_733 : vector<64x192xf32>
    %jit3A_736 = arith.constant 0.000000e+00 : f32
    %jit3A_737 = arith.constant 3.100000e+01 : f32
    %max3A_738 = vector.broadcast %jit3A_736 : f32 to vector<64x192xf32>
    %max3A_739 = arith.maximumf %max3A_738, %floor3A_719 : vector<64x192xf32>
    %min3A_740 = vector.broadcast %jit3A_737 : f32 to vector<64x192xf32>
    %min3A_741 = arith.minimumf %min3A_740, %max3A_739 : vector<64x192xf32>
    %add3A_742 = arith.constant 1.000000e+00 : f32
    %add3A_743 = vector.broadcast %add3A_742 : f32 to vector<64x192xf32>
    %add3A_744 = arith.addf %floor3A_719, %add3A_743 : vector<64x192xf32>
    %jit3A_745 = arith.constant 0.000000e+00 : f32
    %jit3A_746 = arith.constant 3.100000e+01 : f32
    %max3A_747 = vector.broadcast %jit3A_745 : f32 to vector<64x192xf32>
    %max3A_748 = arith.maximumf %max3A_747, %add3A_744 : vector<64x192xf32>
    %min3A_749 = vector.broadcast %jit3A_746 : f32 to vector<64x192xf32>
    %min3A_750 = arith.minimumf %min3A_749, %max3A_748 : vector<64x192xf32>
    %jit3A_751 = arith.constant 0.000000e+00 : f32
    %jit3A_752 = arith.constant 6.300000e+01 : f32
    %max3A_753 = vector.broadcast %jit3A_751 : f32 to vector<64x192xf32>
    %max3A_754 = arith.maximumf %max3A_753, %floor3A_720 : vector<64x192xf32>
    %min3A_755 = vector.broadcast %jit3A_752 : f32 to vector<64x192xf32>
    %min3A_756 = arith.minimumf %min3A_755, %max3A_754 : vector<64x192xf32>
    %add3A_757 = arith.constant 1.000000e+00 : f32
    %add3A_758 = vector.broadcast %add3A_757 : f32 to vector<64x192xf32>
    %add3A_759 = arith.addf %floor3A_720, %add3A_758 : vector<64x192xf32>
    %jit3A_760 = arith.constant 0.000000e+00 : f32
    %jit3A_761 = arith.constant 6.300000e+01 : f32
    %max3A_762 = vector.broadcast %jit3A_760 : f32 to vector<64x192xf32>
    %max3A_763 = arith.maximumf %max3A_762, %add3A_759 : vector<64x192xf32>
    %min3A_764 = vector.broadcast %jit3A_761 : f32 to vector<64x192xf32>
    %min3A_765 = arith.minimumf %min3A_764, %max3A_763 : vector<64x192xf32>
    %sub3A_766 = arith.constant 8.000000e+00 : f32
    %sub3A_767 = vector.broadcast %sub3A_766 : f32 to vector<64x192xf32>
    %sub3A_768 = arith.subf %min3A_741, %sub3A_767 : vector<64x192xf32>
    %sub3A_769 = arith.constant 8.000000e+00 : f32
    %sub3A_770 = vector.broadcast %sub3A_769 : f32 to vector<64x192xf32>
    %sub3A_771 = arith.subf %min3A_750, %sub3A_770 : vector<64x192xf32>
    %sub3A_772 = arith.constant 1.000000e+01 : f32
    %sub3A_773 = vector.broadcast %sub3A_772 : f32 to vector<64x192xf32>
    %sub3A_774 = arith.subf %min3A_726, %sub3A_773 : vector<64x192xf32>
    %sub3A_775 = arith.constant 1.000000e+01 : f32
    %sub3A_776 = vector.broadcast %sub3A_775 : f32 to vector<64x192xf32>
    %sub3A_777 = arith.subf %min3A_735, %sub3A_776 : vector<64x192xf32>
    %sub3A_778 = arith.constant 1.000000e+01 : f32
    %sub3A_779 = vector.broadcast %sub3A_778 : f32 to vector<64x192xf32>
    %sub3A_780 = arith.subf %min3A_756, %sub3A_779 : vector<64x192xf32>
    %sub3A_781 = arith.constant 1.000000e+01 : f32
    %sub3A_782 = vector.broadcast %sub3A_781 : f32 to vector<64x192xf32>
    %sub3A_783 = arith.subf %min3A_765, %sub3A_782 : vector<64x192xf32>
    %mul3A_784 = arith.mulf %sub3A_768, %sub3A_768 : vector<64x192xf32>
    %sub3A_785 = arith.constant 1.210000e+02 : f32
    %sub3A_786 = vector.broadcast %sub3A_785 : f32 to vector<64x192xf32>
    %sub3A_787 = arith.subf %sub3A_786, %mul3A_784 : vector<64x192xf32>
    %mul3A_788 = arith.mulf %sub3A_771, %sub3A_771 : vector<64x192xf32>
    %sub3A_789 = arith.constant 1.210000e+02 : f32
    %sub3A_790 = vector.broadcast %sub3A_789 : f32 to vector<64x192xf32>
    %sub3A_791 = arith.subf %sub3A_790, %mul3A_788 : vector<64x192xf32>
    %mul3A_792 = arith.mulf %sub3A_774, %sub3A_774 : vector<64x192xf32>
    %mul3A_793 = arith.mulf %sub3A_777, %sub3A_777 : vector<64x192xf32>
    %mul3A_794 = arith.mulf %sub3A_780, %sub3A_780 : vector<64x192xf32>
    %mul3A_795 = arith.mulf %sub3A_783, %sub3A_783 : vector<64x192xf32>
    %sub3A_796 = arith.subf %min3A_735, %add3A_709 : vector<64x192xf32>
    %sub3A_797 = arith.subf %min3A_750, %add3A_713 : vector<64x192xf32>
    %sub3A_798 = arith.subf %min3A_765, %add3A_717 : vector<64x192xf32>
    %sub3A_799 = arith.constant 1.000000e+00 : f32
    %sub3A_800 = vector.broadcast %sub3A_799 : f32 to vector<64x192xf32>
    %sub3A_801 = arith.subf %sub3A_800, %sub3A_796 : vector<64x192xf32>
    %sub3A_802 = arith.constant 1.000000e+00 : f32
    %sub3A_803 = vector.broadcast %sub3A_802 : f32 to vector<64x192xf32>
    %sub3A_804 = arith.subf %sub3A_803, %sub3A_797 : vector<64x192xf32>
    %sub3A_805 = arith.constant 1.000000e+00 : f32
    %sub3A_806 = vector.broadcast %sub3A_805 : f32 to vector<64x192xf32>
    %sub3A_807 = arith.subf %sub3A_806, %sub3A_798 : vector<64x192xf32>
    %sub3A_808 = arith.subf %sub3A_787, %mul3A_792 : vector<64x192xf32>
    %mul3A_809 = arith.mulf %sub3A_797, %sub3A_796 : vector<64x192xf32>
    %le3A_810 = arith.cmpf ole, %mul3A_794, %sub3A_808 : vector<64x192xf32>
    %jit3A_811 = arith.constant 0.000000e+00 : f32
    %broadcast_in_dim3A_812 = vector.broadcast %jit3A_811 : f32 to vector<64x192xf32>
    %select_n3A_813 = arith.select %le3A_810, %sub3A_798, %broadcast_in_dim3A_812 : vector<64x192xi1>, vector<64x192xf32>
    %le3A_814 = arith.cmpf ole, %mul3A_795, %sub3A_808 : vector<64x192xf32>
    %jit3A_815 = arith.constant 0.000000e+00 : f32
    %broadcast_in_dim3A_816 = vector.broadcast %jit3A_815 : f32 to vector<64x192xf32>
    %select_n3A_817 = arith.select %le3A_814, %sub3A_807, %broadcast_in_dim3A_816 : vector<64x192xi1>, vector<64x192xf32>
    %add3A_818 = arith.addf %select_n3A_813, %select_n3A_817 : vector<64x192xf32>
    %mul3A_819 = arith.mulf %mul3A_809, %add3A_818 : vector<64x192xf32>
    %sub3A_820 = arith.subf %sub3A_787, %mul3A_793 : vector<64x192xf32>
    %mul3A_821 = arith.mulf %sub3A_797, %sub3A_801 : vector<64x192xf32>
    %le3A_822 = arith.cmpf ole, %mul3A_794, %sub3A_820 : vector<64x192xf32>
    %jit3A_823 = arith.constant 0.000000e+00 : f32
    %broadcast_in_dim3A_824 = vector.broadcast %jit3A_823 : f32 to vector<64x192xf32>
    %select_n3A_825 = arith.select %le3A_822, %sub3A_798, %broadcast_in_dim3A_824 : vector<64x192xi1>, vector<64x192xf32>
    %le3A_826 = arith.cmpf ole, %mul3A_795, %sub3A_820 : vector<64x192xf32>
    %jit3A_827 = arith.constant 0.000000e+00 : f32
    %broadcast_in_dim3A_828 = vector.broadcast %jit3A_827 : f32 to vector<64x192xf32>
    %select_n3A_829 = arith.select %le3A_826, %sub3A_807, %broadcast_in_dim3A_828 : vector<64x192xi1>, vector<64x192xf32>
    %add3A_830 = arith.addf %select_n3A_825, %select_n3A_829 : vector<64x192xf32>
    %mul3A_831 = arith.mulf %mul3A_821, %add3A_830 : vector<64x192xf32>
    %add3A_832 = arith.addf %mul3A_819, %mul3A_831 : vector<64x192xf32>
    %sub3A_833 = arith.subf %sub3A_791, %mul3A_792 : vector<64x192xf32>
    %mul3A_834 = arith.mulf %sub3A_804, %sub3A_796 : vector<64x192xf32>
    %le3A_835 = arith.cmpf ole, %mul3A_794, %sub3A_833 : vector<64x192xf32>
    %jit3A_836 = arith.constant 0.000000e+00 : f32
    %broadcast_in_dim3A_837 = vector.broadcast %jit3A_836 : f32 to vector<64x192xf32>
    %select_n3A_838 = arith.select %le3A_835, %sub3A_798, %broadcast_in_dim3A_837 : vector<64x192xi1>, vector<64x192xf32>
    %le3A_839 = arith.cmpf ole, %mul3A_795, %sub3A_833 : vector<64x192xf32>
    %jit3A_840 = arith.constant 0.000000e+00 : f32
    %broadcast_in_dim3A_841 = vector.broadcast %jit3A_840 : f32 to vector<64x192xf32>
    %select_n3A_842 = arith.select %le3A_839, %sub3A_807, %broadcast_in_dim3A_841 : vector<64x192xi1>, vector<64x192xf32>
    %add3A_843 = arith.addf %select_n3A_838, %select_n3A_842 : vector<64x192xf32>
    %mul3A_844 = arith.mulf %mul3A_834, %add3A_843 : vector<64x192xf32>
    %add3A_845 = arith.addf %add3A_832, %mul3A_844 : vector<64x192xf32>
    %sub3A_846 = arith.subf %sub3A_791, %mul3A_793 : vector<64x192xf32>
    %mul3A_847 = arith.mulf %sub3A_804, %sub3A_801 : vector<64x192xf32>
    %le3A_848 = arith.cmpf ole, %mul3A_794, %sub3A_846 : vector<64x192xf32>
    %jit3A_849 = arith.constant 0.000000e+00 : f32
    %broadcast_in_dim3A_850 = vector.broadcast %jit3A_849 : f32 to vector<64x192xf32>
    %select_n3A_851 = arith.select %le3A_848, %sub3A_798, %broadcast_in_dim3A_850 : vector<64x192xi1>, vector<64x192xf32>
    %le3A_852 = arith.cmpf ole, %mul3A_795, %sub3A_846 : vector<64x192xf32>
    %jit3A_853 = arith.constant 0.000000e+00 : f32
    %broadcast_in_dim3A_854 = vector.broadcast %jit3A_853 : f32 to vector<64x192xf32>
    %select_n3A_855 = arith.select %le3A_852, %sub3A_807, %broadcast_in_dim3A_854 : vector<64x192xi1>, vector<64x192xf32>
    %add3A_856 = arith.addf %select_n3A_851, %select_n3A_855 : vector<64x192xf32>
    %mul3A_857 = arith.mulf %mul3A_847, %add3A_856 : vector<64x192xf32>
    %add3A_858 = arith.addf %add3A_845, %mul3A_857 : vector<64x192xf32>
    %swap3A_859 = arith.constant 0 : index
    %swap3A_860 = arith.constant 4 : index
    %swap3A_861 = arith.constant 0 : index
    %swap3A_862 = arith.constant 0 : index
    %swap3A_863 = vector.load %arg6[%swap3A_859, %swap3A_860, %swap3A_861, %swap3A_862] : memref<1x8x64x192xf32, #tpu.memory_space<vmem>>, vector<1x1x64x192xf32>
    %swap3A_864 = vector.shape_cast %swap3A_863 : vector<1x1x64x192xf32> to vector<64x192xf32>
    %swap3A_865 = vector.shape_cast %add3A_858 : vector<64x192xf32> to vector<1x1x64x192xf32>
    tpu.vector_store %arg6[%swap3A_859, %swap3A_860, %swap3A_861, %swap3A_862], %swap3A_865 {strides = array<i32>} : memref<1x8x64x192xf32, #tpu.memory_space<vmem>>, vector<1x1x64x192xf32>,
    %slice3A_866 = vector.extract_strided_slice %dot_general3A_21 {offsets = [320, 0], sizes = [64, 192], strides = [1, 1]} : vector<512x768xf32> to vector<64x192xf32>
    %slice3A_867 = vector.extract_strided_slice %dot_general3A_21 {offsets = [320, 256], sizes = [64, 192], strides = [1, 1]} : vector<512x768xf32> to vector<64x192xf32>
    %slice3A_868 = vector.extract_strided_slice %dot_general3A_21 {offsets = [320, 512], sizes = [64, 192], strides = [1, 1]} : vector<512x768xf32> to vector<64x192xf32>
    %add3A_869 = arith.constant 5 : i32
    %add3A_870 = arith.addi %mul3A_11, %add3A_869 : i32
    %get3A_871 = arith.constant 0 : index
    %get3A_872 = arith.index_cast %add3A_870 : i32 to index
    %get3A_873 = memref.load %arg5[%get3A_871, %get3A_872] : memref<2x32xf32, #tpu.memory_space<smem>>
    %add3A_874 = arith.constant 5 : i32
    %add3A_875 = arith.addi %mul3A_11, %add3A_874 : i32
    %get3A_876 = arith.constant 1 : index
    %get3A_877 = arith.index_cast %add3A_875 : i32 to index
    %get3A_878 = memref.load %arg5[%get3A_876, %get3A_877] : memref<2x32xf32, #tpu.memory_space<smem>>
    %mul3A_879 = arith.mulf %slice3A_866, %get3A_1 : vector<64x192xf32>
    %add3A_880 = arith.addf %mul3A_879, %get3A_4 : vector<64x192xf32>
    %mul3A_881 = vector.broadcast %get3A_873 : f32 to vector<64x192xf32>
    %mul3A_882 = arith.mulf %slice3A_867, %mul3A_881 : vector<64x192xf32>
    %add3A_883 = vector.broadcast %get3A_878 : f32 to vector<64x192xf32>
    %add3A_884 = arith.addf %mul3A_882, %add3A_883 : vector<64x192xf32>
    %mul3A_885 = vector.broadcast %get3A_7 : vector<1x192xf32> to vector<64x192xf32>
    %mul3A_886 = arith.mulf %slice3A_868, %mul3A_885 : vector<64x192xf32>
    %add3A_887 = vector.broadcast %get3A_10 : vector<1x192xf32> to vector<64x192xf32>
    %add3A_888 = arith.addf %mul3A_886, %add3A_887 : vector<64x192xf32>
    %floor3A_889 = math.floor %add3A_880 : vector<64x192xf32>
    %floor3A_890 = math.floor %add3A_884 : vector<64x192xf32>
    %floor3A_891 = math.floor %add3A_888 : vector<64x192xf32>
    %jit3A_892 = arith.constant 0.000000e+00 : f32
    %jit3A_893 = arith.constant 6.300000e+01 : f32
    %max3A_894 = vector.broadcast %jit3A_892 : f32 to vector<64x192xf32>
    %max3A_895 = arith.maximumf %max3A_894, %floor3A_889 : vector<64x192xf32>
    %min3A_896 = vector.broadcast %jit3A_893 : f32 to vector<64x192xf32>
    %min3A_897 = arith.minimumf %min3A_896, %max3A_895 : vector<64x192xf32>
    %add3A_898 = arith.constant 1.000000e+00 : f32
    %add3A_899 = vector.broadcast %add3A_898 : f32 to vector<64x192xf32>
    %add3A_900 = arith.addf %floor3A_889, %add3A_899 : vector<64x192xf32>
    %jit3A_901 = arith.constant 0.000000e+00 : f32
    %jit3A_902 = arith.constant 6.300000e+01 : f32
    %max3A_903 = vector.broadcast %jit3A_901 : f32 to vector<64x192xf32>
    %max3A_904 = arith.maximumf %max3A_903, %add3A_900 : vector<64x192xf32>
    %min3A_905 = vector.broadcast %jit3A_902 : f32 to vector<64x192xf32>
    %min3A_906 = arith.minimumf %min3A_905, %max3A_904 : vector<64x192xf32>
    %jit3A_907 = arith.constant 0.000000e+00 : f32
    %jit3A_908 = arith.constant 3.100000e+01 : f32
    %max3A_909 = vector.broadcast %jit3A_907 : f32 to vector<64x192xf32>
    %max3A_910 = arith.maximumf %max3A_909, %floor3A_890 : vector<64x192xf32>
    %min3A_911 = vector.broadcast %jit3A_908 : f32 to vector<64x192xf32>
    %min3A_912 = arith.minimumf %min3A_911, %max3A_910 : vector<64x192xf32>
    %add3A_913 = arith.constant 1.000000e+00 : f32
    %add3A_914 = vector.broadcast %add3A_913 : f32 to vector<64x192xf32>
    %add3A_915 = arith.addf %floor3A_890, %add3A_914 : vector<64x192xf32>
    %jit3A_916 = arith.constant 0.000000e+00 : f32
    %jit3A_917 = arith.constant 3.100000e+01 : f32
    %max3A_918 = vector.broadcast %jit3A_916 : f32 to vector<64x192xf32>
    %max3A_919 = arith.maximumf %max3A_918, %add3A_915 : vector<64x192xf32>
    %min3A_920 = vector.broadcast %jit3A_917 : f32 to vector<64x192xf32>
    %min3A_921 = arith.minimumf %min3A_920, %max3A_919 : vector<64x192xf32>
    %jit3A_922 = arith.constant 0.000000e+00 : f32
    %jit3A_923 = arith.constant 6.300000e+01 : f32
    %max3A_924 = vector.broadcast %jit3A_922 : f32 to vector<64x192xf32>
    %max3A_925 = arith.maximumf %max3A_924, %floor3A_891 : vector<64x192xf32>
    %min3A_926 = vector.broadcast %jit3A_923 : f32 to vector<64x192xf32>
    %min3A_927 = arith.minimumf %min3A_926, %max3A_925 : vector<64x192xf32>
    %add3A_928 = arith.constant 1.000000e+00 : f32
    %add3A_929 = vector.broadcast %add3A_928 : f32 to vector<64x192xf32>
    %add3A_930 = arith.addf %floor3A_891, %add3A_929 : vector<64x192xf32>
    %jit3A_931 = arith.constant 0.000000e+00 : f32
    %jit3A_932 = arith.constant 6.300000e+01 : f32
    %max3A_933 = vector.broadcast %jit3A_931 : f32 to vector<64x192xf32>
    %max3A_934 = arith.maximumf %max3A_933, %add3A_930 : vector<64x192xf32>
    %min3A_935 = vector.broadcast %jit3A_932 : f32 to vector<64x192xf32>
    %min3A_936 = arith.minimumf %min3A_935, %max3A_934 : vector<64x192xf32>
    %sub3A_937 = arith.constant 8.000000e+00 : f32
    %sub3A_938 = vector.broadcast %sub3A_937 : f32 to vector<64x192xf32>
    %sub3A_939 = arith.subf %min3A_912, %sub3A_938 : vector<64x192xf32>
    %sub3A_940 = arith.constant 8.000000e+00 : f32
    %sub3A_941 = vector.broadcast %sub3A_940 : f32 to vector<64x192xf32>
    %sub3A_942 = arith.subf %min3A_921, %sub3A_941 : vector<64x192xf32>
    %sub3A_943 = arith.constant 1.000000e+01 : f32
    %sub3A_944 = vector.broadcast %sub3A_943 : f32 to vector<64x192xf32>
    %sub3A_945 = arith.subf %min3A_897, %sub3A_944 : vector<64x192xf32>
    %sub3A_946 = arith.constant 1.000000e+01 : f32
    %sub3A_947 = vector.broadcast %sub3A_946 : f32 to vector<64x192xf32>
    %sub3A_948 = arith.subf %min3A_906, %sub3A_947 : vector<64x192xf32>
    %sub3A_949 = arith.constant 1.000000e+01 : f32
    %sub3A_950 = vector.broadcast %sub3A_949 : f32 to vector<64x192xf32>
    %sub3A_951 = arith.subf %min3A_927, %sub3A_950 : vector<64x192xf32>
    %sub3A_952 = arith.constant 1.000000e+01 : f32
    %sub3A_953 = vector.broadcast %sub3A_952 : f32 to vector<64x192xf32>
    %sub3A_954 = arith.subf %min3A_936, %sub3A_953 : vector<64x192xf32>
    %mul3A_955 = arith.mulf %sub3A_939, %sub3A_939 : vector<64x192xf32>
    %sub3A_956 = arith.constant 1.210000e+02 : f32
    %sub3A_957 = vector.broadcast %sub3A_956 : f32 to vector<64x192xf32>
    %sub3A_958 = arith.subf %sub3A_957, %mul3A_955 : vector<64x192xf32>
    %mul3A_959 = arith.mulf %sub3A_942, %sub3A_942 : vector<64x192xf32>
    %sub3A_960 = arith.constant 1.210000e+02 : f32
    %sub3A_961 = vector.broadcast %sub3A_960 : f32 to vector<64x192xf32>
    %sub3A_962 = arith.subf %sub3A_961, %mul3A_959 : vector<64x192xf32>
    %mul3A_963 = arith.mulf %sub3A_945, %sub3A_945 : vector<64x192xf32>
    %mul3A_964 = arith.mulf %sub3A_948, %sub3A_948 : vector<64x192xf32>
    %mul3A_965 = arith.mulf %sub3A_951, %sub3A_951 : vector<64x192xf32>
    %mul3A_966 = arith.mulf %sub3A_954, %sub3A_954 : vector<64x192xf32>
    %sub3A_967 = arith.subf %min3A_906, %add3A_880 : vector<64x192xf32>
    %sub3A_968 = arith.subf %min3A_921, %add3A_884 : vector<64x192xf32>
    %sub3A_969 = arith.subf %min3A_936, %add3A_888 : vector<64x192xf32>
    %sub3A_970 = arith.constant 1.000000e+00 : f32
    %sub3A_971 = vector.broadcast %sub3A_970 : f32 to vector<64x192xf32>
    %sub3A_972 = arith.subf %sub3A_971, %sub3A_967 : vector<64x192xf32>
    %sub3A_973 = arith.constant 1.000000e+00 : f32
    %sub3A_974 = vector.broadcast %sub3A_973 : f32 to vector<64x192xf32>
    %sub3A_975 = arith.subf %sub3A_974, %sub3A_968 : vector<64x192xf32>
    %sub3A_976 = arith.constant 1.000000e+00 : f32
    %sub3A_977 = vector.broadcast %sub3A_976 : f32 to vector<64x192xf32>
    %sub3A_978 = arith.subf %sub3A_977, %sub3A_969 : vector<64x192xf32>
    %sub3A_979 = arith.subf %sub3A_958, %mul3A_963 : vector<64x192xf32>
    %mul3A_980 = arith.mulf %sub3A_968, %sub3A_967 : vector<64x192xf32>
    %le3A_981 = arith.cmpf ole, %mul3A_965, %sub3A_979 : vector<64x192xf32>
    %jit3A_982 = arith.constant 0.000000e+00 : f32
    %broadcast_in_dim3A_983 = vector.broadcast %jit3A_982 : f32 to vector<64x192xf32>
    %select_n3A_984 = arith.select %le3A_981, %sub3A_969, %broadcast_in_dim3A_983 : vector<64x192xi1>, vector<64x192xf32>
    %le3A_985 = arith.cmpf ole, %mul3A_966, %sub3A_979 : vector<64x192xf32>
    %jit3A_986 = arith.constant 0.000000e+00 : f32
    %broadcast_in_dim3A_987 = vector.broadcast %jit3A_986 : f32 to vector<64x192xf32>
    %select_n3A_988 = arith.select %le3A_985, %sub3A_978, %broadcast_in_dim3A_987 : vector<64x192xi1>, vector<64x192xf32>
    %add3A_989 = arith.addf %select_n3A_984, %select_n3A_988 : vector<64x192xf32>
    %mul3A_990 = arith.mulf %mul3A_980, %add3A_989 : vector<64x192xf32>
    %sub3A_991 = arith.subf %sub3A_958, %mul3A_964 : vector<64x192xf32>
    %mul3A_992 = arith.mulf %sub3A_968, %sub3A_972 : vector<64x192xf32>
    %le3A_993 = arith.cmpf ole, %mul3A_965, %sub3A_991 : vector<64x192xf32>
    %jit3A_994 = arith.constant 0.000000e+00 : f32
    %broadcast_in_dim3A_995 = vector.broadcast %jit3A_994 : f32 to vector<64x192xf32>
    %select_n3A_996 = arith.select %le3A_993, %sub3A_969, %broadcast_in_dim3A_995 : vector<64x192xi1>, vector<64x192xf32>
    %le3A_997 = arith.cmpf ole, %mul3A_966, %sub3A_991 : vector<64x192xf32>
    %jit3A_998 = arith.constant 0.000000e+00 : f32
    %broadcast_in_dim3A_999 = vector.broadcast %jit3A_998 : f32 to vector<64x192xf32>
    %select_n3A_1000 = arith.select %le3A_997, %sub3A_978, %broadcast_in_dim3A_999 : vector<64x192xi1>, vector<64x192xf32>
    %add3A_1001 = arith.addf %select_n3A_996, %select_n3A_1000 : vector<64x192xf32>
    %mul3A_1002 = arith.mulf %mul3A_992, %add3A_1001 : vector<64x192xf32>
    %add3A_1003 = arith.addf %mul3A_990, %mul3A_1002 : vector<64x192xf32>
    %sub3A_1004 = arith.subf %sub3A_962, %mul3A_963 : vector<64x192xf32>
    %mul3A_1005 = arith.mulf %sub3A_975, %sub3A_967 : vector<64x192xf32>
    %le3A_1006 = arith.cmpf ole, %mul3A_965, %sub3A_1004 : vector<64x192xf32>
    %jit3A_1007 = arith.constant 0.000000e+00 : f32
    %broadcast_in_dim3A_1008 = vector.broadcast %jit3A_1007 : f32 to vector<64x192xf32>
    %select_n3A_1009 = arith.select %le3A_1006, %sub3A_969, %broadcast_in_dim3A_1008 : vector<64x192xi1>, vector<64x192xf32>
    %le3A_1010 = arith.cmpf ole, %mul3A_966, %sub3A_1004 : vector<64x192xf32>
    %jit3A_1011 = arith.constant 0.000000e+00 : f32
    %broadcast_in_dim3A_1012 = vector.broadcast %jit3A_1011 : f32 to vector<64x192xf32>
    %select_n3A_1013 = arith.select %le3A_1010, %sub3A_978, %broadcast_in_dim3A_1012 : vector<64x192xi1>, vector<64x192xf32>
    %add3A_1014 = arith.addf %select_n3A_1009, %select_n3A_1013 : vector<64x192xf32>
    %mul3A_1015 = arith.mulf %mul3A_1005, %add3A_1014 : vector<64x192xf32>
    %add3A_1016 = arith.addf %add3A_1003, %mul3A_1015 : vector<64x192xf32>
    %sub3A_1017 = arith.subf %sub3A_962, %mul3A_964 : vector<64x192xf32>
    %mul3A_1018 = arith.mulf %sub3A_975, %sub3A_972 : vector<64x192xf32>
    %le3A_1019 = arith.cmpf ole, %mul3A_965, %sub3A_1017 : vector<64x192xf32>
    %jit3A_1020 = arith.constant 0.000000e+00 : f32
    %broadcast_in_dim3A_1021 = vector.broadcast %jit3A_1020 : f32 to vector<64x192xf32>
    %select_n3A_1022 = arith.select %le3A_1019, %sub3A_969, %broadcast_in_dim3A_1021 : vector<64x192xi1>, vector<64x192xf32>
    %le3A_1023 = arith.cmpf ole, %mul3A_966, %sub3A_1017 : vector<64x192xf32>
    %jit3A_1024 = arith.constant 0.000000e+00 : f32
    %broadcast_in_dim3A_1025 = vector.broadcast %jit3A_1024 : f32 to vector<64x192xf32>
    %select_n3A_1026 = arith.select %le3A_1023, %sub3A_978, %broadcast_in_dim3A_1025 : vector<64x192xi1>, vector<64x192xf32>
    %add3A_1027 = arith.addf %select_n3A_1022, %select_n3A_1026 : vector<64x192xf32>
    %mul3A_1028 = arith.mulf %mul3A_1018, %add3A_1027 : vector<64x192xf32>
    %add3A_1029 = arith.addf %add3A_1016, %mul3A_1028 : vector<64x192xf32>
    %swap3A_1030 = arith.constant 0 : index
    %swap3A_1031 = arith.constant 5 : index
    %swap3A_1032 = arith.constant 0 : index
    %swap3A_1033 = arith.constant 0 : index
    %swap3A_1034 = vector.load %arg6[%swap3A_1030, %swap3A_1031, %swap3A_1032, %swap3A_1033] : memref<1x8x64x192xf32, #tpu.memory_space<vmem>>, vector<1x1x64x192xf32>
    %swap3A_1035 = vector.shape_cast %swap3A_1034 : vector<1x1x64x192xf32> to vector<64x192xf32>
    %swap3A_1036 = vector.shape_cast %add3A_1029 : vector<64x192xf32> to vector<1x1x64x192xf32>
    tpu.vector_store %arg6[%swap3A_1030, %swap3A_1031, %swap3A_1032, %swap3A_1033], %swap3A_1036 {strides = array<i32>} : memref<1x8x64x192xf32, #tpu.memory_space<vmem>>, vector<1x1x64x192xf32>,
    %slice3A_1037 = vector.extract_strided_slice %dot_general3A_21 {offsets = [384, 0], sizes = [64, 192], strides = [1, 1]} : vector<512x768xf32> to vector<64x192xf32>
    %slice3A_1038 = vector.extract_strided_slice %dot_general3A_21 {offsets = [384, 256], sizes = [64, 192], strides = [1, 1]} : vector<512x768xf32> to vector<64x192xf32>
    %slice3A_1039 = vector.extract_strided_slice %dot_general3A_21 {offsets = [384, 512], sizes = [64, 192], strides = [1, 1]} : vector<512x768xf32> to vector<64x192xf32>
    %add3A_1040 = arith.constant 6 : i32
    %add3A_1041 = arith.addi %mul3A_11, %add3A_1040 : i32
    %get3A_1042 = arith.constant 0 : index
    %get3A_1043 = arith.index_cast %add3A_1041 : i32 to index
    %get3A_1044 = memref.load %arg5[%get3A_1042, %get3A_1043] : memref<2x32xf32, #tpu.memory_space<smem>>
    %add3A_1045 = arith.constant 6 : i32
    %add3A_1046 = arith.addi %mul3A_11, %add3A_1045 : i32
    %get3A_1047 = arith.constant 1 : index
    %get3A_1048 = arith.index_cast %add3A_1046 : i32 to index
    %get3A_1049 = memref.load %arg5[%get3A_1047, %get3A_1048] : memref<2x32xf32, #tpu.memory_space<smem>>
    %mul3A_1050 = arith.mulf %slice3A_1037, %get3A_1 : vector<64x192xf32>
    %add3A_1051 = arith.addf %mul3A_1050, %get3A_4 : vector<64x192xf32>
    %mul3A_1052 = vector.broadcast %get3A_1044 : f32 to vector<64x192xf32>
    %mul3A_1053 = arith.mulf %slice3A_1038, %mul3A_1052 : vector<64x192xf32>
    %add3A_1054 = vector.broadcast %get3A_1049 : f32 to vector<64x192xf32>
    %add3A_1055 = arith.addf %mul3A_1053, %add3A_1054 : vector<64x192xf32>
    %mul3A_1056 = vector.broadcast %get3A_7 : vector<1x192xf32> to vector<64x192xf32>
    %mul3A_1057 = arith.mulf %slice3A_1039, %mul3A_1056 : vector<64x192xf32>
    %add3A_1058 = vector.broadcast %get3A_10 : vector<1x192xf32> to vector<64x192xf32>
    %add3A_1059 = arith.addf %mul3A_1057, %add3A_1058 : vector<64x192xf32>
    %floor3A_1060 = math.floor %add3A_1051 : vector<64x192xf32>
    %floor3A_1061 = math.floor %add3A_1055 : vector<64x192xf32>
    %floor3A_1062 = math.floor %add3A_1059 : vector<64x192xf32>
    %jit3A_1063 = arith.constant 0.000000e+00 : f32
    %jit3A_1064 = arith.constant 6.300000e+01 : f32
    %max3A_1065 = vector.broadcast %jit3A_1063 : f32 to vector<64x192xf32>
    %max3A_1066 = arith.maximumf %max3A_1065, %floor3A_1060 : vector<64x192xf32>
    %min3A_1067 = vector.broadcast %jit3A_1064 : f32 to vector<64x192xf32>
    %min3A_1068 = arith.minimumf %min3A_1067, %max3A_1066 : vector<64x192xf32>
    %add3A_1069 = arith.constant 1.000000e+00 : f32
    %add3A_1070 = vector.broadcast %add3A_1069 : f32 to vector<64x192xf32>
    %add3A_1071 = arith.addf %floor3A_1060, %add3A_1070 : vector<64x192xf32>
    %jit3A_1072 = arith.constant 0.000000e+00 : f32
    %jit3A_1073 = arith.constant 6.300000e+01 : f32
    %max3A_1074 = vector.broadcast %jit3A_1072 : f32 to vector<64x192xf32>
    %max3A_1075 = arith.maximumf %max3A_1074, %add3A_1071 : vector<64x192xf32>
    %min3A_1076 = vector.broadcast %jit3A_1073 : f32 to vector<64x192xf32>
    %min3A_1077 = arith.minimumf %min3A_1076, %max3A_1075 : vector<64x192xf32>
    %jit3A_1078 = arith.constant 0.000000e+00 : f32
    %jit3A_1079 = arith.constant 3.100000e+01 : f32
    %max3A_1080 = vector.broadcast %jit3A_1078 : f32 to vector<64x192xf32>
    %max3A_1081 = arith.maximumf %max3A_1080, %floor3A_1061 : vector<64x192xf32>
    %min3A_1082 = vector.broadcast %jit3A_1079 : f32 to vector<64x192xf32>
    %min3A_1083 = arith.minimumf %min3A_1082, %max3A_1081 : vector<64x192xf32>
    %add3A_1084 = arith.constant 1.000000e+00 : f32
    %add3A_1085 = vector.broadcast %add3A_1084 : f32 to vector<64x192xf32>
    %add3A_1086 = arith.addf %floor3A_1061, %add3A_1085 : vector<64x192xf32>
    %jit3A_1087 = arith.constant 0.000000e+00 : f32
    %jit3A_1088 = arith.constant 3.100000e+01 : f32
    %max3A_1089 = vector.broadcast %jit3A_1087 : f32 to vector<64x192xf32>
    %max3A_1090 = arith.maximumf %max3A_1089, %add3A_1086 : vector<64x192xf32>
    %min3A_1091 = vector.broadcast %jit3A_1088 : f32 to vector<64x192xf32>
    %min3A_1092 = arith.minimumf %min3A_1091, %max3A_1090 : vector<64x192xf32>
    %jit3A_1093 = arith.constant 0.000000e+00 : f32
    %jit3A_1094 = arith.constant 6.300000e+01 : f32
    %max3A_1095 = vector.broadcast %jit3A_1093 : f32 to vector<64x192xf32>
    %max3A_1096 = arith.maximumf %max3A_1095, %floor3A_1062 : vector<64x192xf32>
    %min3A_1097 = vector.broadcast %jit3A_1094 : f32 to vector<64x192xf32>
    %min3A_1098 = arith.minimumf %min3A_1097, %max3A_1096 : vector<64x192xf32>
    %add3A_1099 = arith.constant 1.000000e+00 : f32
    %add3A_1100 = vector.broadcast %add3A_1099 : f32 to vector<64x192xf32>
    %add3A_1101 = arith.addf %floor3A_1062, %add3A_1100 : vector<64x192xf32>
    %jit3A_1102 = arith.constant 0.000000e+00 : f32
    %jit3A_1103 = arith.constant 6.300000e+01 : f32
    %max3A_1104 = vector.broadcast %jit3A_1102 : f32 to vector<64x192xf32>
    %max3A_1105 = arith.maximumf %max3A_1104, %add3A_1101 : vector<64x192xf32>
    %min3A_1106 = vector.broadcast %jit3A_1103 : f32 to vector<64x192xf32>
    %min3A_1107 = arith.minimumf %min3A_1106, %max3A_1105 : vector<64x192xf32>
    %sub3A_1108 = arith.constant 8.000000e+00 : f32
    %sub3A_1109 = vector.broadcast %sub3A_1108 : f32 to vector<64x192xf32>
    %sub3A_1110 = arith.subf %min3A_1083, %sub3A_1109 : vector<64x192xf32>
    %sub3A_1111 = arith.constant 8.000000e+00 : f32
    %sub3A_1112 = vector.broadcast %sub3A_1111 : f32 to vector<64x192xf32>
    %sub3A_1113 = arith.subf %min3A_1092, %sub3A_1112 : vector<64x192xf32>
    %sub3A_1114 = arith.constant 1.000000e+01 : f32
    %sub3A_1115 = vector.broadcast %sub3A_1114 : f32 to vector<64x192xf32>
    %sub3A_1116 = arith.subf %min3A_1068, %sub3A_1115 : vector<64x192xf32>
    %sub3A_1117 = arith.constant 1.000000e+01 : f32
    %sub3A_1118 = vector.broadcast %sub3A_1117 : f32 to vector<64x192xf32>
    %sub3A_1119 = arith.subf %min3A_1077, %sub3A_1118 : vector<64x192xf32>
    %sub3A_1120 = arith.constant 1.000000e+01 : f32
    %sub3A_1121 = vector.broadcast %sub3A_1120 : f32 to vector<64x192xf32>
    %sub3A_1122 = arith.subf %min3A_1098, %sub3A_1121 : vector<64x192xf32>
    %sub3A_1123 = arith.constant 1.000000e+01 : f32
    %sub3A_1124 = vector.broadcast %sub3A_1123 : f32 to vector<64x192xf32>
    %sub3A_1125 = arith.subf %min3A_1107, %sub3A_1124 : vector<64x192xf32>
    %mul3A_1126 = arith.mulf %sub3A_1110, %sub3A_1110 : vector<64x192xf32>
    %sub3A_1127 = arith.constant 1.210000e+02 : f32
    %sub3A_1128 = vector.broadcast %sub3A_1127 : f32 to vector<64x192xf32>
    %sub3A_1129 = arith.subf %sub3A_1128, %mul3A_1126 : vector<64x192xf32>
    %mul3A_1130 = arith.mulf %sub3A_1113, %sub3A_1113 : vector<64x192xf32>
    %sub3A_1131 = arith.constant 1.210000e+02 : f32
    %sub3A_1132 = vector.broadcast %sub3A_1131 : f32 to vector<64x192xf32>
    %sub3A_1133 = arith.subf %sub3A_1132, %mul3A_1130 : vector<64x192xf32>
    %mul3A_1134 = arith.mulf %sub3A_1116, %sub3A_1116 : vector<64x192xf32>
    %mul3A_1135 = arith.mulf %sub3A_1119, %sub3A_1119 : vector<64x192xf32>
    %mul3A_1136 = arith.mulf %sub3A_1122, %sub3A_1122 : vector<64x192xf32>
    %mul3A_1137 = arith.mulf %sub3A_1125, %sub3A_1125 : vector<64x192xf32>
    %sub3A_1138 = arith.subf %min3A_1077, %add3A_1051 : vector<64x192xf32>
    %sub3A_1139 = arith.subf %min3A_1092, %add3A_1055 : vector<64x192xf32>
    %sub3A_1140 = arith.subf %min3A_1107, %add3A_1059 : vector<64x192xf32>
    %sub3A_1141 = arith.constant 1.000000e+00 : f32
    %sub3A_1142 = vector.broadcast %sub3A_1141 : f32 to vector<64x192xf32>
    %sub3A_1143 = arith.subf %sub3A_1142, %sub3A_1138 : vector<64x192xf32>
    %sub3A_1144 = arith.constant 1.000000e+00 : f32
    %sub3A_1145 = vector.broadcast %sub3A_1144 : f32 to vector<64x192xf32>
    %sub3A_1146 = arith.subf %sub3A_1145, %sub3A_1139 : vector<64x192xf32>
    %sub3A_1147 = arith.constant 1.000000e+00 : f32
    %sub3A_1148 = vector.broadcast %sub3A_1147 : f32 to vector<64x192xf32>
    %sub3A_1149 = arith.subf %sub3A_1148, %sub3A_1140 : vector<64x192xf32>
    %sub3A_1150 = arith.subf %sub3A_1129, %mul3A_1134 : vector<64x192xf32>
    %mul3A_1151 = arith.mulf %sub3A_1139, %sub3A_1138 : vector<64x192xf32>
    %le3A_1152 = arith.cmpf ole, %mul3A_1136, %sub3A_1150 : vector<64x192xf32>
    %jit3A_1153 = arith.constant 0.000000e+00 : f32
    %broadcast_in_dim3A_1154 = vector.broadcast %jit3A_1153 : f32 to vector<64x192xf32>
    %select_n3A_1155 = arith.select %le3A_1152, %sub3A_1140, %broadcast_in_dim3A_1154 : vector<64x192xi1>, vector<64x192xf32>
    %le3A_1156 = arith.cmpf ole, %mul3A_1137, %sub3A_1150 : vector<64x192xf32>
    %jit3A_1157 = arith.constant 0.000000e+00 : f32
    %broadcast_in_dim3A_1158 = vector.broadcast %jit3A_1157 : f32 to vector<64x192xf32>
    %select_n3A_1159 = arith.select %le3A_1156, %sub3A_1149, %broadcast_in_dim3A_1158 : vector<64x192xi1>, vector<64x192xf32>
    %add3A_1160 = arith.addf %select_n3A_1155, %select_n3A_1159 : vector<64x192xf32>
    %mul3A_1161 = arith.mulf %mul3A_1151, %add3A_1160 : vector<64x192xf32>
    %sub3A_1162 = arith.subf %sub3A_1129, %mul3A_1135 : vector<64x192xf32>
    %mul3A_1163 = arith.mulf %sub3A_1139, %sub3A_1143 : vector<64x192xf32>
    %le3A_1164 = arith.cmpf ole, %mul3A_1136, %sub3A_1162 : vector<64x192xf32>
    %jit3A_1165 = arith.constant 0.000000e+00 : f32
    %broadcast_in_dim3A_1166 = vector.broadcast %jit3A_1165 : f32 to vector<64x192xf32>
    %select_n3A_1167 = arith.select %le3A_1164, %sub3A_1140, %broadcast_in_dim3A_1166 : vector<64x192xi1>, vector<64x192xf32>
    %le3A_1168 = arith.cmpf ole, %mul3A_1137, %sub3A_1162 : vector<64x192xf32>
    %jit3A_1169 = arith.constant 0.000000e+00 : f32
    %broadcast_in_dim3A_1170 = vector.broadcast %jit3A_1169 : f32 to vector<64x192xf32>
    %select_n3A_1171 = arith.select %le3A_1168, %sub3A_1149, %broadcast_in_dim3A_1170 : vector<64x192xi1>, vector<64x192xf32>
    %add3A_1172 = arith.addf %select_n3A_1167, %select_n3A_1171 : vector<64x192xf32>
    %mul3A_1173 = arith.mulf %mul3A_1163, %add3A_1172 : vector<64x192xf32>
    %add3A_1174 = arith.addf %mul3A_1161, %mul3A_1173 : vector<64x192xf32>
    %sub3A_1175 = arith.subf %sub3A_1133, %mul3A_1134 : vector<64x192xf32>
    %mul3A_1176 = arith.mulf %sub3A_1146, %sub3A_1138 : vector<64x192xf32>
    %le3A_1177 = arith.cmpf ole, %mul3A_1136, %sub3A_1175 : vector<64x192xf32>
    %jit3A_1178 = arith.constant 0.000000e+00 : f32
    %broadcast_in_dim3A_1179 = vector.broadcast %jit3A_1178 : f32 to vector<64x192xf32>
    %select_n3A_1180 = arith.select %le3A_1177, %sub3A_1140, %broadcast_in_dim3A_1179 : vector<64x192xi1>, vector<64x192xf32>
    %le3A_1181 = arith.cmpf ole, %mul3A_1137, %sub3A_1175 : vector<64x192xf32>
    %jit3A_1182 = arith.constant 0.000000e+00 : f32
    %broadcast_in_dim3A_1183 = vector.broadcast %jit3A_1182 : f32 to vector<64x192xf32>
    %select_n3A_1184 = arith.select %le3A_1181, %sub3A_1149, %broadcast_in_dim3A_1183 : vector<64x192xi1>, vector<64x192xf32>
    %add3A_1185 = arith.addf %select_n3A_1180, %select_n3A_1184 : vector<64x192xf32>
    %mul3A_1186 = arith.mulf %mul3A_1176, %add3A_1185 : vector<64x192xf32>
    %add3A_1187 = arith.addf %add3A_1174, %mul3A_1186 : vector<64x192xf32>
    %sub3A_1188 = arith.subf %sub3A_1133, %mul3A_1135 : vector<64x192xf32>
    %mul3A_1189 = arith.mulf %sub3A_1146, %sub3A_1143 : vector<64x192xf32>
    %le3A_1190 = arith.cmpf ole, %mul3A_1136, %sub3A_1188 : vector<64x192xf32>
    %jit3A_1191 = arith.constant 0.000000e+00 : f32
    %broadcast_in_dim3A_1192 = vector.broadcast %jit3A_1191 : f32 to vector<64x192xf32>
    %select_n3A_1193 = arith.select %le3A_1190, %sub3A_1140, %broadcast_in_dim3A_1192 : vector<64x192xi1>, vector<64x192xf32>
    %le3A_1194 = arith.cmpf ole, %mul3A_1137, %sub3A_1188 : vector<64x192xf32>
    %jit3A_1195 = arith.constant 0.000000e+00 : f32
    %broadcast_in_dim3A_1196 = vector.broadcast %jit3A_1195 : f32 to vector<64x192xf32>
    %select_n3A_1197 = arith.select %le3A_1194, %sub3A_1149, %broadcast_in_dim3A_1196 : vector<64x192xi1>, vector<64x192xf32>
    %add3A_1198 = arith.addf %select_n3A_1193, %select_n3A_1197 : vector<64x192xf32>
    %mul3A_1199 = arith.mulf %mul3A_1189, %add3A_1198 : vector<64x192xf32>
    %add3A_1200 = arith.addf %add3A_1187, %mul3A_1199 : vector<64x192xf32>
    %swap3A_1201 = arith.constant 0 : index
    %swap3A_1202 = arith.constant 6 : index
    %swap3A_1203 = arith.constant 0 : index
    %swap3A_1204 = arith.constant 0 : index
    %swap3A_1205 = vector.load %arg6[%swap3A_1201, %swap3A_1202, %swap3A_1203, %swap3A_1204] : memref<1x8x64x192xf32, #tpu.memory_space<vmem>>, vector<1x1x64x192xf32>
    %swap3A_1206 = vector.shape_cast %swap3A_1205 : vector<1x1x64x192xf32> to vector<64x192xf32>
    %swap3A_1207 = vector.shape_cast %add3A_1200 : vector<64x192xf32> to vector<1x1x64x192xf32>
    tpu.vector_store %arg6[%swap3A_1201, %swap3A_1202, %swap3A_1203, %swap3A_1204], %swap3A_1207 {strides = array<i32>} : memref<1x8x64x192xf32, #tpu.memory_space<vmem>>, vector<1x1x64x192xf32>,
    %slice3A_1208 = vector.extract_strided_slice %dot_general3A_21 {offsets = [448, 0], sizes = [64, 192], strides = [1, 1]} : vector<512x768xf32> to vector<64x192xf32>
    %slice3A_1209 = vector.extract_strided_slice %dot_general3A_21 {offsets = [448, 256], sizes = [64, 192], strides = [1, 1]} : vector<512x768xf32> to vector<64x192xf32>
    %slice3A_1210 = vector.extract_strided_slice %dot_general3A_21 {offsets = [448, 512], sizes = [64, 192], strides = [1, 1]} : vector<512x768xf32> to vector<64x192xf32>
    %add3A_1211 = arith.constant 7 : i32
    %add3A_1212 = arith.addi %mul3A_11, %add3A_1211 : i32
    %get3A_1213 = arith.constant 0 : index
    %get3A_1214 = arith.index_cast %add3A_1212 : i32 to index
    %get3A_1215 = memref.load %arg5[%get3A_1213, %get3A_1214] : memref<2x32xf32, #tpu.memory_space<smem>>
    %add3A_1216 = arith.constant 7 : i32
    %add3A_1217 = arith.addi %mul3A_11, %add3A_1216 : i32
    %get3A_1218 = arith.constant 1 : index
    %get3A_1219 = arith.index_cast %add3A_1217 : i32 to index
    %get3A_1220 = memref.load %arg5[%get3A_1218, %get3A_1219] : memref<2x32xf32, #tpu.memory_space<smem>>
    %mul3A_1221 = arith.mulf %slice3A_1208, %get3A_1 : vector<64x192xf32>
    %add3A_1222 = arith.addf %mul3A_1221, %get3A_4 : vector<64x192xf32>
    %mul3A_1223 = vector.broadcast %get3A_1215 : f32 to vector<64x192xf32>
    %mul3A_1224 = arith.mulf %slice3A_1209, %mul3A_1223 : vector<64x192xf32>
    %add3A_1225 = vector.broadcast %get3A_1220 : f32 to vector<64x192xf32>
    %add3A_1226 = arith.addf %mul3A_1224, %add3A_1225 : vector<64x192xf32>
    %mul3A_1227 = vector.broadcast %get3A_7 : vector<1x192xf32> to vector<64x192xf32>
    %mul3A_1228 = arith.mulf %slice3A_1210, %mul3A_1227 : vector<64x192xf32>
    %add3A_1229 = vector.broadcast %get3A_10 : vector<1x192xf32> to vector<64x192xf32>
    %add3A_1230 = arith.addf %mul3A_1228, %add3A_1229 : vector<64x192xf32>
    %floor3A_1231 = math.floor %add3A_1222 : vector<64x192xf32>
    %floor3A_1232 = math.floor %add3A_1226 : vector<64x192xf32>
    %floor3A_1233 = math.floor %add3A_1230 : vector<64x192xf32>
    %jit3A_1234 = arith.constant 0.000000e+00 : f32
    %jit3A_1235 = arith.constant 6.300000e+01 : f32
    %max3A_1236 = vector.broadcast %jit3A_1234 : f32 to vector<64x192xf32>
    %max3A_1237 = arith.maximumf %max3A_1236, %floor3A_1231 : vector<64x192xf32>
    %min3A_1238 = vector.broadcast %jit3A_1235 : f32 to vector<64x192xf32>
    %min3A_1239 = arith.minimumf %min3A_1238, %max3A_1237 : vector<64x192xf32>
    %add3A_1240 = arith.constant 1.000000e+00 : f32
    %add3A_1241 = vector.broadcast %add3A_1240 : f32 to vector<64x192xf32>
    %add3A_1242 = arith.addf %floor3A_1231, %add3A_1241 : vector<64x192xf32>
    %jit3A_1243 = arith.constant 0.000000e+00 : f32
    %jit3A_1244 = arith.constant 6.300000e+01 : f32
    %max3A_1245 = vector.broadcast %jit3A_1243 : f32 to vector<64x192xf32>
    %max3A_1246 = arith.maximumf %max3A_1245, %add3A_1242 : vector<64x192xf32>
    %min3A_1247 = vector.broadcast %jit3A_1244 : f32 to vector<64x192xf32>
    %min3A_1248 = arith.minimumf %min3A_1247, %max3A_1246 : vector<64x192xf32>
    %jit3A_1249 = arith.constant 0.000000e+00 : f32
    %jit3A_1250 = arith.constant 3.100000e+01 : f32
    %max3A_1251 = vector.broadcast %jit3A_1249 : f32 to vector<64x192xf32>
    %max3A_1252 = arith.maximumf %max3A_1251, %floor3A_1232 : vector<64x192xf32>
    %min3A_1253 = vector.broadcast %jit3A_1250 : f32 to vector<64x192xf32>
    %min3A_1254 = arith.minimumf %min3A_1253, %max3A_1252 : vector<64x192xf32>
    %add3A_1255 = arith.constant 1.000000e+00 : f32
    %add3A_1256 = vector.broadcast %add3A_1255 : f32 to vector<64x192xf32>
    %add3A_1257 = arith.addf %floor3A_1232, %add3A_1256 : vector<64x192xf32>
    %jit3A_1258 = arith.constant 0.000000e+00 : f32
    %jit3A_1259 = arith.constant 3.100000e+01 : f32
    %max3A_1260 = vector.broadcast %jit3A_1258 : f32 to vector<64x192xf32>
    %max3A_1261 = arith.maximumf %max3A_1260, %add3A_1257 : vector<64x192xf32>
    %min3A_1262 = vector.broadcast %jit3A_1259 : f32 to vector<64x192xf32>
    %min3A_1263 = arith.minimumf %min3A_1262, %max3A_1261 : vector<64x192xf32>
    %jit3A_1264 = arith.constant 0.000000e+00 : f32
    %jit3A_1265 = arith.constant 6.300000e+01 : f32
    %max3A_1266 = vector.broadcast %jit3A_1264 : f32 to vector<64x192xf32>
    %max3A_1267 = arith.maximumf %max3A_1266, %floor3A_1233 : vector<64x192xf32>
    %min3A_1268 = vector.broadcast %jit3A_1265 : f32 to vector<64x192xf32>
    %min3A_1269 = arith.minimumf %min3A_1268, %max3A_1267 : vector<64x192xf32>
    %add3A_1270 = arith.constant 1.000000e+00 : f32
    %add3A_1271 = vector.broadcast %add3A_1270 : f32 to vector<64x192xf32>
    %add3A_1272 = arith.addf %floor3A_1233, %add3A_1271 : vector<64x192xf32>
    %jit3A_1273 = arith.constant 0.000000e+00 : f32
    %jit3A_1274 = arith.constant 6.300000e+01 : f32
    %max3A_1275 = vector.broadcast %jit3A_1273 : f32 to vector<64x192xf32>
    %max3A_1276 = arith.maximumf %max3A_1275, %add3A_1272 : vector<64x192xf32>
    %min3A_1277 = vector.broadcast %jit3A_1274 : f32 to vector<64x192xf32>
    %min3A_1278 = arith.minimumf %min3A_1277, %max3A_1276 : vector<64x192xf32>
    %sub3A_1279 = arith.constant 8.000000e+00 : f32
    %sub3A_1280 = vector.broadcast %sub3A_1279 : f32 to vector<64x192xf32>
    %sub3A_1281 = arith.subf %min3A_1254, %sub3A_1280 : vector<64x192xf32>
    %sub3A_1282 = arith.constant 8.000000e+00 : f32
    %sub3A_1283 = vector.broadcast %sub3A_1282 : f32 to vector<64x192xf32>
    %sub3A_1284 = arith.subf %min3A_1263, %sub3A_1283 : vector<64x192xf32>
    %sub3A_1285 = arith.constant 1.000000e+01 : f32
    %sub3A_1286 = vector.broadcast %sub3A_1285 : f32 to vector<64x192xf32>
    %sub3A_1287 = arith.subf %min3A_1239, %sub3A_1286 : vector<64x192xf32>
    %sub3A_1288 = arith.constant 1.000000e+01 : f32
    %sub3A_1289 = vector.broadcast %sub3A_1288 : f32 to vector<64x192xf32>
    %sub3A_1290 = arith.subf %min3A_1248, %sub3A_1289 : vector<64x192xf32>
    %sub3A_1291 = arith.constant 1.000000e+01 : f32
    %sub3A_1292 = vector.broadcast %sub3A_1291 : f32 to vector<64x192xf32>
    %sub3A_1293 = arith.subf %min3A_1269, %sub3A_1292 : vector<64x192xf32>
    %sub3A_1294 = arith.constant 1.000000e+01 : f32
    %sub3A_1295 = vector.broadcast %sub3A_1294 : f32 to vector<64x192xf32>
    %sub3A_1296 = arith.subf %min3A_1278, %sub3A_1295 : vector<64x192xf32>
    %mul3A_1297 = arith.mulf %sub3A_1281, %sub3A_1281 : vector<64x192xf32>
    %sub3A_1298 = arith.constant 1.210000e+02 : f32
    %sub3A_1299 = vector.broadcast %sub3A_1298 : f32 to vector<64x192xf32>
    %sub3A_1300 = arith.subf %sub3A_1299, %mul3A_1297 : vector<64x192xf32>
    %mul3A_1301 = arith.mulf %sub3A_1284, %sub3A_1284 : vector<64x192xf32>
    %sub3A_1302 = arith.constant 1.210000e+02 : f32
    %sub3A_1303 = vector.broadcast %sub3A_1302 : f32 to vector<64x192xf32>
    %sub3A_1304 = arith.subf %sub3A_1303, %mul3A_1301 : vector<64x192xf32>
    %mul3A_1305 = arith.mulf %sub3A_1287, %sub3A_1287 : vector<64x192xf32>
    %mul3A_1306 = arith.mulf %sub3A_1290, %sub3A_1290 : vector<64x192xf32>
    %mul3A_1307 = arith.mulf %sub3A_1293, %sub3A_1293 : vector<64x192xf32>
    %mul3A_1308 = arith.mulf %sub3A_1296, %sub3A_1296 : vector<64x192xf32>
    %sub3A_1309 = arith.subf %min3A_1248, %add3A_1222 : vector<64x192xf32>
    %sub3A_1310 = arith.subf %min3A_1263, %add3A_1226 : vector<64x192xf32>
    %sub3A_1311 = arith.subf %min3A_1278, %add3A_1230 : vector<64x192xf32>
    %sub3A_1312 = arith.constant 1.000000e+00 : f32
    %sub3A_1313 = vector.broadcast %sub3A_1312 : f32 to vector<64x192xf32>
    %sub3A_1314 = arith.subf %sub3A_1313, %sub3A_1309 : vector<64x192xf32>
    %sub3A_1315 = arith.constant 1.000000e+00 : f32
    %sub3A_1316 = vector.broadcast %sub3A_1315 : f32 to vector<64x192xf32>
    %sub3A_1317 = arith.subf %sub3A_1316, %sub3A_1310 : vector<64x192xf32>
    %sub3A_1318 = arith.constant 1.000000e+00 : f32
    %sub3A_1319 = vector.broadcast %sub3A_1318 : f32 to vector<64x192xf32>
    %sub3A_1320 = arith.subf %sub3A_1319, %sub3A_1311 : vector<64x192xf32>
    %sub3A_1321 = arith.subf %sub3A_1300, %mul3A_1305 : vector<64x192xf32>
    %mul3A_1322 = arith.mulf %sub3A_1310, %sub3A_1309 : vector<64x192xf32>
    %le3A_1323 = arith.cmpf ole, %mul3A_1307, %sub3A_1321 : vector<64x192xf32>
    %jit3A_1324 = arith.constant 0.000000e+00 : f32
    %broadcast_in_dim3A_1325 = vector.broadcast %jit3A_1324 : f32 to vector<64x192xf32>
    %select_n3A_1326 = arith.select %le3A_1323, %sub3A_1311, %broadcast_in_dim3A_1325 : vector<64x192xi1>, vector<64x192xf32>
    %le3A_1327 = arith.cmpf ole, %mul3A_1308, %sub3A_1321 : vector<64x192xf32>
    %jit3A_1328 = arith.constant 0.000000e+00 : f32
    %broadcast_in_dim3A_1329 = vector.broadcast %jit3A_1328 : f32 to vector<64x192xf32>
    %select_n3A_1330 = arith.select %le3A_1327, %sub3A_1320, %broadcast_in_dim3A_1329 : vector<64x192xi1>, vector<64x192xf32>
    %add3A_1331 = arith.addf %select_n3A_1326, %select_n3A_1330 : vector<64x192xf32>
    %mul3A_1332 = arith.mulf %mul3A_1322, %add3A_1331 : vector<64x192xf32>
    %sub3A_1333 = arith.subf %sub3A_1300, %mul3A_1306 : vector<64x192xf32>
    %mul3A_1334 = arith.mulf %sub3A_1310, %sub3A_1314 : vector<64x192xf32>
    %le3A_1335 = arith.cmpf ole, %mul3A_1307, %sub3A_1333 : vector<64x192xf32>
    %jit3A_1336 = arith.constant 0.000000e+00 : f32
    %broadcast_in_dim3A_1337 = vector.broadcast %jit3A_1336 : f32 to vector<64x192xf32>
    %select_n3A_1338 = arith.select %le3A_1335, %sub3A_1311, %broadcast_in_dim3A_1337 : vector<64x192xi1>, vector<64x192xf32>
    %le3A_1339 = arith.cmpf ole, %mul3A_1308, %sub3A_1333 : vector<64x192xf32>
    %jit3A_1340 = arith.constant 0.000000e+00 : f32
    %broadcast_in_dim3A_1341 = vector.broadcast %jit3A_1340 : f32 to vector<64x192xf32>
    %select_n3A_1342 = arith.select %le3A_1339, %sub3A_1320, %broadcast_in_dim3A_1341 : vector<64x192xi1>, vector<64x192xf32>
    %add3A_1343 = arith.addf %select_n3A_1338, %select_n3A_1342 : vector<64x192xf32>
    %mul3A_1344 = arith.mulf %mul3A_1334, %add3A_1343 : vector<64x192xf32>
    %add3A_1345 = arith.addf %mul3A_1332, %mul3A_1344 : vector<64x192xf32>
    %sub3A_1346 = arith.subf %sub3A_1304, %mul3A_1305 : vector<64x192xf32>
    %mul3A_1347 = arith.mulf %sub3A_1317, %sub3A_1309 : vector<64x192xf32>
    %le3A_1348 = arith.cmpf ole, %mul3A_1307, %sub3A_1346 : vector<64x192xf32>
    %jit3A_1349 = arith.constant 0.000000e+00 : f32
    %broadcast_in_dim3A_1350 = vector.broadcast %jit3A_1349 : f32 to vector<64x192xf32>
    %select_n3A_1351 = arith.select %le3A_1348, %sub3A_1311, %broadcast_in_dim3A_1350 : vector<64x192xi1>, vector<64x192xf32>
    %le3A_1352 = arith.cmpf ole, %mul3A_1308, %sub3A_1346 : vector<64x192xf32>
    %jit3A_1353 = arith.constant 0.000000e+00 : f32
    %broadcast_in_dim3A_1354 = vector.broadcast %jit3A_1353 : f32 to vector<64x192xf32>
    %select_n3A_1355 = arith.select %le3A_1352, %sub3A_1320, %broadcast_in_dim3A_1354 : vector<64x192xi1>, vector<64x192xf32>
    %add3A_1356 = arith.addf %select_n3A_1351, %select_n3A_1355 : vector<64x192xf32>
    %mul3A_1357 = arith.mulf %mul3A_1347, %add3A_1356 : vector<64x192xf32>
    %add3A_1358 = arith.addf %add3A_1345, %mul3A_1357 : vector<64x192xf32>
    %sub3A_1359 = arith.subf %sub3A_1304, %mul3A_1306 : vector<64x192xf32>
    %mul3A_1360 = arith.mulf %sub3A_1317, %sub3A_1314 : vector<64x192xf32>
    %le3A_1361 = arith.cmpf ole, %mul3A_1307, %sub3A_1359 : vector<64x192xf32>
    %jit3A_1362 = arith.constant 0.000000e+00 : f32
    %broadcast_in_dim3A_1363 = vector.broadcast %jit3A_1362 : f32 to vector<64x192xf32>
    %select_n3A_1364 = arith.select %le3A_1361, %sub3A_1311, %broadcast_in_dim3A_1363 : vector<64x192xi1>, vector<64x192xf32>
    %le3A_1365 = arith.cmpf ole, %mul3A_1308, %sub3A_1359 : vector<64x192xf32>
    %jit3A_1366 = arith.constant 0.000000e+00 : f32
    %broadcast_in_dim3A_1367 = vector.broadcast %jit3A_1366 : f32 to vector<64x192xf32>
    %select_n3A_1368 = arith.select %le3A_1365, %sub3A_1320, %broadcast_in_dim3A_1367 : vector<64x192xi1>, vector<64x192xf32>
    %add3A_1369 = arith.addf %select_n3A_1364, %select_n3A_1368 : vector<64x192xf32>
    %mul3A_1370 = arith.mulf %mul3A_1360, %add3A_1369 : vector<64x192xf32>
    %add3A_1371 = arith.addf %add3A_1358, %mul3A_1370 : vector<64x192xf32>
    %swap3A_1372 = arith.constant 0 : index
    %swap3A_1373 = arith.constant 7 : index
    %swap3A_1374 = arith.constant 0 : index
    %swap3A_1375 = arith.constant 0 : index
    %swap3A_1376 = vector.load %arg6[%swap3A_1372, %swap3A_1373, %swap3A_1374, %swap3A_1375] : memref<1x8x64x192xf32, #tpu.memory_space<vmem>>, vector<1x1x64x192xf32>
    %swap3A_1377 = vector.shape_cast %swap3A_1376 : vector<1x1x64x192xf32> to vector<64x192xf32>
    %swap3A_1378 = vector.shape_cast %add3A_1371 : vector<64x192xf32> to vector<1x1x64x192xf32>
    tpu.vector_store %arg6[%swap3A_1372, %swap3A_1373, %swap3A_1374, %swap3A_1375], %swap3A_1378 {strides = array<i32>} : memref<1x8x64x192xf32, #tpu.memory_space<vmem>>, vector<1x1x64x192xf32>,
    return
  }
  func.func @transform_0(%arg0: i32, %arg1: i32) -> (i32, i32, i32, i32) {
    %c0_i32 = arith.constant 0 : i32
    %c0_i32_0 = arith.constant 0 : i32
    %c0_i32_1 = arith.constant 0 : i32
    return %arg0, %arg1, %c0_i32, %c0_i32_0 : i32, i32, i32, i32
  }
  func.func @transform_1(%arg0: i32, %arg1: i32) -> (i32, i32) {
    %c0_i32 = arith.constant 0 : i32
    %c0_i32_0 = arith.constant 0 : i32
    %c0_i32_1 = arith.constant 0 : i32
    return %c0_i32, %c0_i32_0 : i32, i32
  }
  func.func @transform_2(%arg0: i32, %arg1: i32) -> (i32, i32) {
    %c0_i32 = arith.constant 0 : i32
    %c0_i32_0 = arith.constant 0 : i32
    %c0_i32_1 = arith.constant 0 : i32
    return %c0_i32, %c0_i32_0 : i32, i32
  }
  func.func @transform_3(%arg0: i32, %arg1: i32) -> (i32, i32) {
    %c0_i32 = arith.constant 0 : i32
    %c0_i32_0 = arith.constant 0 : i32
    %c0_i32_1 = arith.constant 0 : i32
    return %c0_i32, %c0_i32_0 : i32, i32
  }
  func.func @transform_4(%arg0: i32, %arg1: i32) -> (i32, i32, i32, i32) {
    %c0_i32 = arith.constant 0 : i32
    %c0_i32_0 = arith.constant 0 : i32
    %c0_i32_1 = arith.constant 0 : i32
    return %arg0, %arg1, %c0_i32, %c0_i32_0 : i32, i32, i32, i32
  }
}

</mosaic_0001>

<sc_bundles>
// kernel: sparse-core-data-format-call.cloned.1.call-start
scs
called_computation_lowered:
.L_overlay_start_0:
0x0: {  	s2 =	sld [smem:$0x3FD9]  }
0x1: {  	s3 =	sld [smem:$0x3FFE];
	_ =	sdelay $0x1  }
0x2: {  	s1 =	srdreg.scid  }
0x3: {  	s0 =	sand.u32 $0x1, s1  }
0x4: {  	s18 =	sshll.u32 s0, $0xA;
	s2 =	sadd.s32 s3, s2  }
0x5: {  	s2 =	sadd.s32 s2, s18  }
0x6: {  	[smem:$0x3FC5] =	sst s2  }
0x7: {  	_ = 	snop  }
0x8: {  	s2 =	sld [smem:$0x3FD0];
	(tm) =	ssettm $0x1  }
0x9: {  	s19 =	sld [smem:$0x3FFB];
	_ =	sdelay $0x3  }
0xa: {  	_ =	strace s19  }
0xb: {  	s3 =	sld [smem:$0x3FFC];
	_ =	sdelay $0x3  }
0xc: {  	_ =	strace s3  }
0xd: {  	s3 =	sld [smem:$0x3FFD];
	_ =	sdelay $0x3  }
0xe: {  	_ =	strace s3  }
0xf: {  	_ =	strace $0x8FFFFFFF  }
0x10: {  	s20 =	sld [smem:$0x3FDB];
	_ =	sdelay $0x1  }
0x11: {  	s4 =	simm.s32 $_scs_section_size  }
0x12: {  	s5 =	simm.s32 $_size__tile_overlayer_lowered;
	s6 =	simm.s32 $_tile_overlayer_lowered  }
0x13: {  	s23 =	simm.s32 $0x1BFF;
	s22 =	sshll.u32 s6, $0x1;
	s3 =	sadd.s32 s4, s20  }
0x14: {  	s7 =	simm.s32 $0x0;
	s21 =	sshll.u32 s5, $0x1;
	s5 =	sadd.s32 s22, s3  }
0x15: {  	[timem:s7], [sflag:s23] =	dma.local [hbm:s5], s21  }
0x16: {  	_ =	swait.ge [sflag:s23], s21  }
0x17: {  	s4 =	ssub.s32 $0x0, s21;
	[sflag:s23] =	ssyncset.done $0x0  }
0x18: {  	[sflag:s23] =	ssyncadd.s32 s4;
	_ =	sdelay $0x1  }
0x19: {  	s24 =	simm.s32 $0x1B8B  }
0x1a: {  	_ =	swait.ge [sflag:s24], $0x1  }
0x1b: {  	[sflag:s24] =	ssyncset.done $0x0  }
0x1c: {  	s26 =	simm.s32 $0x1B8E;
	s25 =	sld [smem:$0x3FFE];
	[sflag:s24] =	ssyncadd.s32 $0xFFFFFFFF  }
0x1d: {  	s27 =	simm.s32 $execute0_lowered;
	[smem:$0x3FD2] =	sst s26  }
0x1e: {  	s5 =	sshll.u32 s27, $0x1;
	_ =	strace $0x80000046;
	[dreg:$0x1] =	wrdreg $0xFFFFFFFF  }
0x1f: {  	s28 =	simm.s32 $_size_execute0_lowered;
	s3 =	sadd.s32 s3, s5;
	[dreg:$0x0] =	wrdreg $0x0  }
0x20: {  	s5 =	sshll.u32 s28, $0x1;
	[dreg:$0x2] =	wrdreg s3  }
0x21: {  	[dreg:$0x3] =	wrdreg s5  }
0x22: {  	[dreg:$0x4] =	wrdreg $0xC0  }
0x23: {  	_ =	task [dreg:s7], $0x5FFFF  }
0x24: {  	[dreg:$0x1] =	wrdreg $0xFFFFFFFF  }
0x25: {  	[dreg:$0x0] =	wrdreg $0x60  }
0x26: {  	[dreg:$0x2] =	wrdreg s25  }
0x27: {  	[dreg:$0x3] =	wrdreg s2  }
0x28: {  	[dreg:$0x4] =	wrdreg $0x9  }
0x29: {  	_ =	task.clear_ibuf [dreg:s7], $0x5FFFF;
	_ =	strace $0x90000046  }
0x2a: {  	s29 =	simm.s32 $0x9;
	_ =	strace $0x80000048  }
0x2b: {  	_ =	swait.ge [sflag:s29], $0x1  }
0x2c: {  	[sflag:s29] =	ssyncadd.s32 $0xFFFFFFFF  }
0x2d: {  	_ =	strace $0x90000048  }
0x2e: {  	_ =	sfence  }
0x2f: {  	s30 =	sld [smem:$0x0];
	_ =	sdelay $0x2  }
0x30: {  	s31 =	sshll.u32 s1, $0xD;
	s1 =	sshrl.u32 s1, $0x2  }
0x31: {  	s3 =	sand.u32 $0x4000, s31;
	s1 =	sadd.s32 s1, s30  }
0x32: {  	s0 =	sor.u32 s3, s0;
	s1 =	sshll.u32 s1, $0x11  }
0x33: {  	s0 =	sor.u32 s1, s0  }
0x34: {  	s0 =	sadd.s32 $0x8F2B, s0  }
0x35: {  	[sflag:s0] =	ssyncadd.remote.s32 $0x1  }
0x36: {  	_ =	sfence.sel $0xFFFF  }
0x37: {  	[dreg:$0x0] =	wrdreg $0xFFFFFFFF;
	(pc) =	sbr.abs _section_cstart, $3  }
0x38: {  	[dreg:$0x1] =	wrdreg $0xFFFFFFFF  }
0x39: {  	_ =	task.clear_ibuf [dreg:s7], $0x2FFFF;
	_ =	strace $0x9FFFFFFF  }
0x3a: {  	(tm) =	ssettm $0x7FFFFFFF  }
0x3b: {  	_ =	shalt  }
tec
execute0_lowered:
.L_overlay_start_1:
0x0: {  	(tag) =	ssettag $0x1  }
0x1: {  	s4 =	rddreg [dreg:$0x0]  }
0x2: {  	s2 =	rddreg [dreg:$0x1]  }
0x3: {  	s0 =	stileid.u32;
	s1 =	rddreg [dreg:$0x2];
	_ =	strace $0x80000047  }
0x4: {  	s6 =	srdreg.scid;
	s31 =	simm.s32 $0x2;
	s18 =	simm.s32 $0x0  }
0x5: {  	s12 =	simm.s32 $0x80;
	s20 =	simm.s32 $0x0;
	s19 =	simm.s32 $0x0  }
0x6: {  	s21 =	simm.s32 $0x0;
	s14 =	simm.s32 $0x0;
	s3 =	sshll.u32 s0, $0x2  }
0x7: {  	s15 =	simm.s32 $0x0;
	s17 =	simm.s32 $0x0;
	s3 =	sand.u32 $0x1C, s3  }
0x8: {  	s4 =	sadd.s32 $0xE00, s4;
	s6 =	sshll.u32 s6, $0x4;
	s5 =	ssub.s32 $0x20, s3  }
0x9: {  	s10 =	sadd.s32 $0x48000, s2;
	s6 =	sand.u32 $0x10, s6;
	s7 =	sand.u32 $0x1C, s5  }
0xa: {  	s8 =	sshrl.u32 s5, $0x5;
	p0 =	sne.s32 s7, $0x0;
	s7 =	simm.s32 $0x1  }
.Ltmp0:
0xb: {  	s5 =	simm.s32 $0x1;
	s7 =	simm.s32 @!p0 $0x0;
	(pc) =	sbr.rel .LBB1_1-.Ltmp0, $4  }
0xc: {  	s9 =	sor.u32 s0, s6;
	[sflag:s5] =	ssyncpa.u1 $0x0;
	s30 =	sadd.s32 s7, s8  }
0xd: {  	s16 =	smov.u32 s3;
	[sflag:s31] =	ssyncpa.u1 $0x0;
	s6 =	smul.u32 $0x18, s30  }
0xe: {  	p0 =	por $0x0, $0x0;
	s7 =	sshrl.u32 s9, $0x3;
	s8 =	sadd.s32 $0x18000, s2  }
0xf: {  	s9 =	sadd.s32 $0x30000, s2;
	s13 =	smov.u32 s7;
	s11 =	sor.u32 $0x1, s6  }
.LBB1_7:
0x10: {  	s22 =	sadd.s32 $0x4, s13  }
0x11: {  	s18 =	simm.s32 $0x1;
	p2 =	sgt.s32 s22, $0x1F  }
0x12: {  	s18 =	simm.s32 @!p2 $0x0  }
0x13: {  	s23 =	sadd.s32 s18, s14  }
0x14: {  	s24 =	smov.u32 s15;
	s18 =	sadd.s32 $0x40, s15;
	p3 =	sgt.s32 s23, $0x2  }
0x15: {  	s24 =	smov.u32 @p3 s18  }
0x16: {  	s25 =	smov.u32 s16;
	s18 =	sadd.s32 $0x20, s16;
	p4 =	sgt.s32 s24, $0x3F  }
0x17: {  	p1 =	slt.u32 s17, $0x2;
	s25 =	smov.u32 @p4 s18  }
0x18: {  	s20 =	smov.u32 s14;
	s22 =	smov.u32 @p2 s7;
	p2 =	sgt.s32 s25, $0x1F  }
0x19: {  	s26 =	simm.s32 @!p1 $0x2;
	s25 =	smov.u32 @p2 s3;
	p2 =	sne.s32 s17, s11  }
.Ltmp1:
0x1a: {  	s19 =	smov.u32 s15;
	_ =	swait.ge @!p1 [sflag:s26], $0x4000;
	(pc) =	sbr.rel @!p2 .LBB1_8-.Ltmp1, $4  }
0x1b: {  	s21 =	smov.u32 s16;
	[sflag:s26] =	ssyncset.done @!p1 $0x0;
	s23 =	simm.s32 @p3 $0x0  }
0x1c: {  	p0 =	por !p0, !p0;
	[sflag:s26] =	ssyncadd.s32 @!p1 $0xFFFFC000;
	s14 =	smov.u32 s23  }
0x1d: {  	s24 =	simm.s32 @p4 $0x0;
	s18 =	smov.u32 s13;
	s13 =	smov.u32 s22  }
0x1e: {  	s15 =	smov.u32 s24;
	s17 =	sadd.s32 $0x1, s17;
	s16 =	smov.u32 s25  }
.LBB1_1:
0x1f: {  	p1 =	sge.u32 s17, s6  }
0x20: {  	s22 =	smul.u32 @!p1 $0x18000, s16  }
0x21: {  	s31 =	sadd.s32 $0xFFFFFFFF, s17;
	s24 =	smul.u32 @!p1 $0x600, s15  }
0x22: {  	s23 =	sxor.u32 @!p1 $0xFFFFFFFF, s17;
	s25 =	sshll.u32 @!p1 s14, $0x9;
	s22 =	sadd.s32 @!p1 s4, s22  }
0x23: {  	s26 =	sshll.u32 @!p1 s13, $0x4;
	s23 =	sshll.u32 @!p1 s23, $0xE;
	s22 =	sadd.s32 @!p1 s24, s22  }
0x24: {  	s23 =	sand.u32 @!p1 $0x4000, s23;
	s24 =	sand.u32 @!p1 $0x1F0, s26;
	s22 =	sadd.s32 @!p1 s25, s22  }
0x25: {  	s25 =	simm.s32 @!p1 $0x3000;
	s22 =	sadd.s32 @!p1 s24, s22;
	s24 =	simm.s32 @!p1 $0x40  }
0x26: {  	[tilespmem:s23], [sflag:$0x1] =	stream.strided.gather @!p1 [hbm4b:s22+s24], $0x4000, s25, s24, $0x38;
	[tilespmem:$0x10200] =	vst v63  }
0x27: {  	p1 =	sge.u32 s31, s6  }
.Ltmp2:
0x28: {  	_ = 	snop;
	(pc) =	sbr.rel @p1 .LBB1_7-.Ltmp2, $1  }
0x29: {  	_ =	sdelay $0x3  }
0x2a: {  	s22 =	simm.s32 $0x1;
	s24 =	sand.u32 $0x1, s17  }
0x2b: {  	_ =	swait.ge [sflag:s5], $0x4000;
	s22 =	simm.s32 @!p0 $0x0;
	s26 =	smul.u32 $0x10400, s24  }
0x2c: {  	[sflag:s5] =	ssyncset.done $0x0;
	s23 =	smul.u32 $0x10400, s22  }
0x2d: {  	s22 =	sshll.u32 s22, $0xE;
	[sflag:s5] =	ssyncadd.s32 $0xFFFFC000  }
0x2e: {  	s25 =	sor.u32 $0x20, s22;
	s22 =	sshrl.u32 s26, $0x2;
	s23 =	sshrl.u32 s23, $0x2  }
0x2f: {  	s26 =	simm.s32 $0x0;
	s24 =	sor.u32 $0x8000, s23;
	s23 =	sor.u32 $0x8000, s22  }
.LBB1_3:
0x30: {  	v3 =	vld [tilespmem:s25+$0x10]  }
0x31: {  	v2 =	vld [tilespmem:s25+$0xFFFFFFF0]  }
0x32: {  	v0 =	vld [tilespmem:s25+$0x0]  }
0x33: {  	v1 =	vld [tilespmem:s25+$0xFFFFFFE0]  }
0x34: {  	s27 =	sadd.s32 $0x0, s24  }
0x35: {  	s28 =	simm.s32 $0x4;
	s29 =	sadd.s32 $0x40, s25;
	[tilespmem:s27+$0xC30 ss:$0x41] =	vst.msk $0xffff, v3  }
.LBB1_4:
0x36: {  	v3 =	vld [tilespmem:s29+$0x10];
	p1 =	sne.s32 s28, $0xFC;
	[tilespmem:s27+$0x410 ss:$0x41] =	vst.msk $0xffff, v2;
	s30 =	smov.u32 s28;
	s28 =	sadd.s32 $0x4, s28  }
.Ltmp3:
0x37: {  	v2 =	vld [tilespmem:s29+$0xFFFFFFF0];
	[tilespmem:s27+$0x820 ss:$0x41] =	vst.msk $0xffff, v0;
	(pc) =	sbr.rel @p1 .LBB1_4-.Ltmp3, $4  }
0x38: {  	v0 =	vld [tilespmem:s29+$0x0];
	[tilespmem:s27+$0x0 ss:$0x41] =	vst.msk $0xffff, v1  }
0x39: {  	s27 =	sshra.s32 s30, $0x2;
	v1 =	vld [tilespmem:s29+$0xFFFFFFE0]  }
0x3a: {  	s27 =	sadd.s32 s27, s24  }
0x3b: {  	s29 =	sadd.s32 $0x40, s29;
	[tilespmem:s27+$0xC30 ss:$0x41] =	vst.msk $0xffff, v3  }
0x3c: {  	s26 =	sadd.s32 $0x1, s26  }
0x3d: {  	p1 =	sne.s32 s26, $0x4  }
.Ltmp4:
0x3e: {  	_ = 	snop;
	(pc) =	sbr.rel @p1 .LBB1_3-.Ltmp4, $4  }
0x3f: {  	_ = 	snop  }
0x40: {  	[tilespmem:s27+$0x410 ss:$0x41] =	vst.msk $0xffff, v2  }
0x41: {  	[tilespmem:s27+$0x820 ss:$0x41] =	vst.msk $0xffff, v0  }
0x42: {  	s24 =	sadd.s32 $0x1040, s24;
	s25 =	sadd.s32 $0x1000, s25;
	[tilespmem:s27+$0x0 ss:$0x41] =	vst.msk $0xffff, v1  }
0x43: {  	s21 =	smul.u32 $0x18000, s21  }
0x44: {  	s20 =	sshll.u32 s20, $0xA  }
0x45: {  	s24 =	sand.u32 $0x380, s19;
	s25 =	sadd.s32 s21, s20  }
0x46: {  	s18 =	smul.u32 $0xC00, s18;
	s26 =	sshrl.u32 s19, $0x3;
	s25 =	sadd.s32 s2, s25  }
0x47: {  	s31 =	sand.u32 $0x7, s19;
	s26 =	sand.u32 $0xF, s26;
	s25 =	sadd.s32 s24, s25  }
0x48: {  	s19 =	sshll.u32 s31, $0x12;
	s25 =	sadd.s32 s26, s25  }
0x49: {  	s19 =	sor.u32 $0x40, s19;
	s27 =	sadd.s32 s21, s8;
	s25 =	sadd.s32 s18, s25  }
0x4a: {  	[hbm4b:s25+s19] =	stream.strided.scatter [tilespmem:s23], [sflag:$0x2], $0x1000, s12, s19, $0x18;
	[tilespmem:$0x10200] =	vst v63  }
0x4b: {  	s23 =	sadd.s32 s24, s27  }
0x4c: {  	s23 =	sadd.s32 s20, s23  }
0x4d: {  	s23 =	sadd.s32 s26, s23  }
0x4e: {  	s28 =	sadd.s32 $0x9040, s22;
	s29 =	sadd.s32 s21, s9;
	s23 =	sadd.s32 s18, s23  }
0x4f: {  	[hbm4b:s23+s19] =	stream.strided.scatter [tilespmem:s28], [sflag:$0x2], $0x1000, s12, s19, $0x18;
	[tilespmem:$0x10200] =	vst v63  }
0x50: {  	s21 =	sadd.s32 s21, s10;
	s23 =	sadd.s32 s24, s29  }
0x51: {  	s21 =	sadd.s32 s24, s21;
	s23 =	sadd.s32 s20, s23  }
.Ltmp5:
0x52: {  	s20 =	sadd.s32 s20, s21;
	s23 =	sadd.s32 s26, s23;
	(pc) =	sbr.rel .LBB1_7-.Ltmp5, $4  }
0x53: {  	s30 =	sadd.s32 $0xA080, s22;
	s20 =	sadd.s32 s26, s20;
	s23 =	sadd.s32 s18, s23  }
0x54: {  	[hbm4b:s23+s19] =	stream.strided.scatter [tilespmem:s30], [sflag:$0x2], $0x1000, s12, s19, $0x18;
	[tilespmem:$0x10200] =	vst v63  }
0x55: {  	s31 =	sadd.s32 $0xB0C0, s22;
	s18 =	sadd.s32 s18, s20  }
0x56: {  	[hbm4b:s18+s19] =	stream.strided.scatter [tilespmem:s31], [sflag:$0x2], $0x1000, s12, s19, $0x18;
	[tilespmem:$0x10200] =	vst v63  }
.LBB1_8:
0x57: {  	_ =	sfence.sel $0x180000  }
0x58: {  	s2 =	simm.s32 $0x1;
	[bflag:$0x0] =	sbarrier.arrive $0xFFFF  }
0x59: {  	s31 =	simm.s32 $0x2;
	[sflag:s2] =	ssyncpa.u1 $0x1  }
0x5a: {  	[sflag:s31] =	ssyncpa.u1 $0x1  }
0x5b: {  	p0 =	sne.s32 s0, $0x0;
	_ =	strace $0x90000047  }
0x5c: {  	s0 =	sadd.s32 @!p0 $0x100000, s1;
	[bflag:$0x2] =	sbarrier.arrive $0xFFFF  }
0x5d: {  	[sflag:s0] =	ssyncadd.tile.s32 @!p0 $0x1;
	_ =	shalt  }
.Lfunc_end1:
_tile_overlayer_lowered:
.L_overlay_start_2:
0x5e: {  	(tag) =	ssettag $0x2  }
0x5f: {  	s0 =	rddreg [dreg:$0x0];
	s2 =	stileid.u32  }
0x60: {  	s1 =	rddreg [dreg:$0x1];
	p0 =	sne.s32 s2, $0x0  }
0x61: {  	s3 =	rddreg [dreg:$0x2];
	[bflag:$0x3] =	sbarrier.arrive $0xFFFF;
	s2 =	simm.s32 @!p0 $0x1C01  }
0x62: {  	[timem:s3], [sflag:s2] =	dma.local @!p0 [hbm:s0], s1  }
0x63: {  	s0 =	simm.s32 @!p0 $0x1  }
0x64: {  	_ =	swait.ge @!p0 [sflag:s0], s1  }
0x65: {  	s1 =	ssub.s32 @!p0 $0x0, s1;
	[sflag:s0] =	ssyncset.done @!p0 $0x0  }
0x66: {  	[sflag:s0] =	ssyncadd.s32 @!p0 s1  }
0x67: {  	[bflag:$0x3] =	sbarrier.arrive $0xFFFF  }
0x68: {  	_ =	shalt  }

</sc_bundles>
